<compile_context>
chip_gen: v7x
topology: tpu7x:2x2x1
jax: 0.10.2.dev20260603
libtpu: 0.0.44.dev20260713+nightly
codegen_flags: <defaults>
</compile_context>

<pallas_src>
import functools

import jax
import jax.numpy as jnp
from jax import lax
from jax.experimental import pallas as pl
from jax.experimental.pallas import tpu as pltpu
from jax.experimental.pallas import tpu_sc as plsc

E = 8
TOP_K = 2
D = 1024
FF = 2048
ALPHA = 1.702
LIMIT = 7.0

NW = 32


def _sc_gather(x_rows, src_tok):
    R = src_tok.shape[0]
    W = x_rows.shape[1]
    rows_per_w = R // NW
    CH = 32
    n_ch = rows_per_w // CH
    mesh = plsc.VectorSubcoreMesh(core_axis_name="c", subcore_axis_name="s")

    @functools.partial(
        pl.kernel,
        mesh=mesh,
        out_type=jax.ShapeDtypeStruct((R, W), jnp.float32),
        scratch_types=[
            pltpu.VMEM((rows_per_w,), jnp.int32),
            pltpu.VMEM((CH, W), jnp.float32),
            pltpu.VMEM((CH, W), jnp.float32),
            pltpu.SemaphoreType.DMA,
            pltpu.SemaphoreType.DMA,
        ],
    )
    def k(x_hbm, idx_hbm, out_hbm, idx_v, buf0, buf1, sem0, sem1):
        wid = lax.axis_index("s") * 2 + lax.axis_index("c")
        base = wid * rows_per_w
        pltpu.sync_copy(idx_hbm.at[pl.ds(base, rows_per_w)], idx_v)
        bufs = (buf0, buf1)
        sems = (sem0, sem1)
        pending = pltpu.async_copy(x_hbm.at[idx_v.at[pl.ds(0, CH)]], buf0, sem0)
        for i in range(n_ch):
            if i + 1 < n_ch:
                nxt = pltpu.async_copy(
                    x_hbm.at[idx_v.at[pl.ds((i + 1) * CH, CH)]],
                    bufs[(i + 1) % 2], sems[(i + 1) % 2])
            pending.wait()
            pltpu.sync_copy(bufs[i % 2], out_hbm.at[pl.ds(base + i * CH, CH)])
            if i + 1 < n_ch:
                pending = nxt

    return k(x_rows, src_tok)


def _sc_combine(outs, r0, r1, w0, w1):
    T = r0.shape[0]
    tok_per_w = T // NW
    CH = 32
    n_ch = tok_per_w // CH
    nvec = D // 16
    mesh = plsc.VectorSubcoreMesh(core_axis_name="c", subcore_axis_name="s")

    @functools.partial(
        pl.kernel,
        mesh=mesh,
        out_type=jax.ShapeDtypeStruct((T, D), jnp.float32),
        scratch_types=[
            pltpu.VMEM((tok_per_w,), jnp.int32),
            pltpu.VMEM((tok_per_w,), jnp.int32),
            pltpu.VMEM((tok_per_w, 16), jnp.float32),
            pltpu.VMEM((tok_per_w, 16), jnp.float32),
            pltpu.VMEM((CH, D), jnp.float32),
            pltpu.VMEM((CH, D), jnp.float32),
            pltpu.SemaphoreType.DMA,
            pltpu.SemaphoreType.DMA,
        ],
    )
    def k(outs_hbm, r0_hbm, r1_hbm, w0_hbm, w1_hbm, y_hbm,
          i0_v, i1_v, w0_v, w1_v, bufa, bufb, sem0, sem1):
        wid = lax.axis_index("s") * 2 + lax.axis_index("c")
        base = wid * tok_per_w
        pltpu.sync_copy(r0_hbm.at[pl.ds(base, tok_per_w)], i0_v)
        pltpu.sync_copy(r1_hbm.at[pl.ds(base, tok_per_w)], i1_v)
        pltpu.sync_copy(w0_hbm.at[pl.ds(base, tok_per_w)], w0_v)
        pltpu.sync_copy(w1_hbm.at[pl.ds(base, tok_per_w)], w1_v)

        def chunk_body(cidx, carry):
            off = base + cidx * CH
            cpa = pltpu.async_copy(
                outs_hbm.at[i0_v.at[pl.ds(cidx * CH, CH)]], bufa, sem0)
            cpb = pltpu.async_copy(
                outs_hbm.at[i1_v.at[pl.ds(cidx * CH, CH)]], bufb, sem1)
            cpa.wait()
            cpb.wait()

            def tok_body(i, c2):
                wa = w0_v[cidx * CH + i, :]
                wb = w1_v[cidx * CH + i, :]

                def col_body(j, c3):
                    for u in range(4):
                        sl = pl.ds((j * 4 + u) * 16, 16)
                        a = bufa[i, sl]
                        b = bufb[i, sl]
                        bufa[i, sl] = a * wa + b * wb
                    return c3

                lax.fori_loop(0, nvec // 4, col_body, 0)
                return c2

            lax.fori_loop(0, CH, tok_body, 0)
            pltpu.sync_copy(bufa, y_hbm.at[pl.ds(off, CH)])
            return carry

        lax.fori_loop(0, n_ch, chunk_body, 0)

    return k(outs, r0, r1, w0, w1)


def _tc_mlp(gathered, w1b, b1, w2d, b2, cap):
    CAP_BLK = 512
    F2 = 2 * FF
    F2_BLK = 1024
    CB = cap // CAP_BLK
    NFB = F2 // F2_BLK
    R = E * cap

    def body(xg_ref, w1_ref, b1_ref, w2_ref, b2_ref, out_ref):
        fb = pl.program_id(2)
        x = xg_ref[...].astype(jnp.bfloat16)
        b1_blk = b1_ref[0, :, pl.ds(fb * F2_BLK, F2_BLK)]
        gu = jnp.dot(x, w1_ref[0], preferred_element_type=jnp.float32) + b1_blk
        g = jnp.minimum(gu, LIMIT)
        glu = g * jax.nn.sigmoid(g * ALPHA)
        up1 = jnp.clip(gu, -LIMIT, LIMIT) + 1.0
        glu_sh = jnp.roll(glu, 1, axis=1)
        parity = jax.lax.broadcasted_iota(jnp.int32, gu.shape, 1) % 2
        q = jnp.where(parity == 1, up1 * glu_sh, 0.0).astype(jnp.bfloat16)
        part = jnp.dot(q, w2_ref[0], preferred_element_type=jnp.float32)

        @pl.when(fb == 0)
        def _():
            out_ref[...] = part + b2_ref[0]

        @pl.when(fb != 0)
        def _():
            out_ref[...] += part

    grid = (E, CB, NFB)
    return pl.pallas_call(
        body,
        grid=grid,
        in_specs=[
            pl.BlockSpec((CAP_BLK, D), lambda e, cb, fb: (e * CB + cb, 0)),
            pl.BlockSpec((1, D, F2_BLK), lambda e, cb, fb: (e, 0, fb)),
            pl.BlockSpec((1, 1, F2), lambda e, cb, fb: (e, 0, 0)),
            pl.BlockSpec((1, F2_BLK, D), lambda e, cb, fb: (e, fb, 0)),
            pl.BlockSpec((1, 1, D), lambda e, cb, fb: (e, 0, 0)),
        ],
        out_specs=pl.BlockSpec((CAP_BLK, D), lambda e, cb, fb: (e * CB + cb, 0)),
        out_shape=jax.ShapeDtypeStruct((R, D), jnp.float32),
        compiler_params=pltpu.CompilerParams(
            dimension_semantics=("parallel", "parallel", "arbitrary"),
        ),
    )(gathered, w1b, b1, w2d, b2)


def _routing(x_flat, router_weight, router_bias, cap):
    T = x_flat.shape[0]
    logits = x_flat @ router_weight.T + router_bias
    expert_weights, expert_indices = jax.lax.top_k(logits, TOP_K)
    expert_weights = jax.nn.softmax(expert_weights, axis=-1)
    flat_e = expert_indices.reshape(-1)
    wflat = expert_weights.reshape(-1)
    onehot = (flat_e[:, None] == jnp.arange(E, dtype=flat_e.dtype)[None, :]).astype(jnp.int32)
    ends = jnp.cumsum(onehot, axis=0)
    p = jnp.take_along_axis(ends, flat_e[:, None], axis=1)[:, 0] - 1
    kept = p < cap
    rowid = flat_e * cap + p
    rowid_safe = jnp.where(kept, rowid, 0)
    tok_of_assign = jnp.arange(T * TOP_K, dtype=jnp.int32) // TOP_K
    scatter_idx = jnp.where(kept, rowid, E * cap)
    src_tok = jnp.zeros((E * cap,), jnp.int32).at[scatter_idx].set(tok_of_assign)
    w_eff = jnp.where(kept, wflat, 0.0)
    r0 = rowid_safe[0::TOP_K]
    r1 = rowid_safe[1::TOP_K]
    w0 = w_eff[0::TOP_K]
    w1 = w_eff[1::TOP_K]
    return src_tok, r0, r1, w0, w1


def kernel(x, router_weight, router_bias, w1, w1_bias, w2, w2_bias):
    in_shape = x.shape
    T = x.shape[0] * x.shape[1]
    cap = TOP_K * T // E
    x_flat = x.reshape(T, D)

    src_tok, r0, r1, w0, w1c = _routing(x_flat, router_weight, router_bias, cap)

    w1b = w1.astype(jnp.bfloat16)
    w2d = jnp.repeat(w2, 2, axis=1).astype(jnp.bfloat16)
    b1 = w1_bias.reshape(E, 1, 2 * FF)
    b2 = w2_bias.reshape(E, 1, D)

    wc0 = jnp.broadcast_to(w0[:, None], (T, 16))
    wc1 = jnp.broadcast_to(w1c[:, None], (T, 16))

    gathered = _sc_gather(x_flat, src_tok)
    outs = _tc_mlp(gathered, w1b, b1, w2d, b2, cap)
    y = _sc_combine(outs, r0, r1, wc0, wc1)
    return y.reshape(in_shape)

# --- scband reference (transcript-rebuilt; emitter-appended) ---
"""Pipeline reference for scband-mega-blocks-moe-mlp-45028437131847 (READ-ONLY COPY).

The authoritative reference and input builder live on the scoring server;
editing this copy changes nothing except your own understanding.
"""

import jax, jax.numpy as jnp
import numpy as np

E = 8
TOP_K = 2
D = 1024
FF = 2048
SL = 2048
BS = 2
ALPHA = 1.702
LIMIT = 7.0
T = SL * BS
CAPACITY = int(1.0 * TOP_K * T / E)


def setup_inputs(seed: int = 0) -> dict:
    key = jax.random.key(seed)
    ks = jax.random.split(key, 8)
    x = jax.random.normal(ks[0], (SL, BS, D), dtype=jnp.float32)
    router_weight = jax.random.normal(ks[1], (E, D), dtype=jnp.float32) * 0.02
    router_bias = jax.random.normal(ks[2], (E,), dtype=jnp.float32) * 0.02
    w1 = jax.random.normal(ks[3], (E, D, 2 * FF), dtype=jnp.float32) * 0.02
    w1_bias = jax.random.normal(ks[4], (E, 2 * FF), dtype=jnp.float32) * 0.02
    w2 = jax.random.normal(ks[5], (E, FF, D), dtype=jnp.float32) * 0.02
    w2_bias = jax.random.normal(ks[6], (E, D), dtype=jnp.float32) * 0.02
    return {
        'x': x,
        'router_weight': router_weight,
        'router_bias': router_bias,
        'w1': w1,
        'w1_bias': w1_bias,
        'w2': w2,
        'w2_bias': w2_bias,
    }


def _moe_forward(x, router_weight, router_bias, w1, w1_bias, w2, w2_bias):
    in_shape = x.shape
    x_flat = x.reshape(-1, D)
    # --- route_tokens ---
    logits = x_flat @ router_weight.T + router_bias
    expert_weights, expert_indices = jax.lax.top_k(logits, TOP_K)
    expert_weights = jax.nn.softmax(expert_weights, axis=-1)
    # --- indices_and_bins ---
    top_experts = expert_indices.reshape(-1)
    weights_flat = expert_weights.reshape(-1)
    order = jnp.argsort(top_experts)  # stable sort; indices into flattened (token,top_k) space
    tokens_per_expert = jnp.bincount(top_experts, length=E)
    bins = jnp.cumsum(tokens_per_expert)
    starts = bins - tokens_per_expert
    # --- binned_gather (capacity-based) ---
    pos = starts[:, None] + jnp.arange(CAPACITY)[None, :]
    valid = jnp.arange(CAPACITY)[None, :] < tokens_per_expert[:, None]
    pos_c = jnp.clip(pos, 0, T * TOP_K - 1)
    sorted_idx = order[pos_c]  # [E, CAPACITY] flat (token*top_k + k) indices
    tok = sorted_idx // TOP_K  # token id per slot
    gathered = x_flat[tok] * valid[..., None]
    # --- expert MLP (gpt-oss style glu with interleaved gate/up) ---
    gate_up = jnp.einsum('ecd,edf->ecf', gathered, w1) + w1_bias[:, None, :]
    gate = gate_up[..., ::2]
    up = gate_up[..., 1::2]
    gate = jnp.minimum(gate, LIMIT)
    up = jnp.clip(up, -LIMIT, LIMIT)
    glu = gate * jax.nn.sigmoid(gate * ALPHA)
    hidden = (up + 1.0) * glu
    out = jnp.einsum('ecf,efd->ecd', hidden, w2) + w2_bias[:, None, :]
    # --- binned_scatter with expert weights ---
    w_g = weights_flat[sorted_idx]
    contrib = out * w_g[..., None] * valid[..., None]
    y = jnp.zeros((T, D), dtype=x.dtype).at[tok.reshape(-1)].add(contrib.reshape(-1, D))
    return y.reshape(in_shape)


def reference(x, router_weight, router_bias, w1, w1_bias, w2, w2_bias):
    return _moe_forward(x, router_weight, router_bias, w1, w1_bias, w2, w2_bias)

if __name__ == "__main__":
    import jax
    _d = setup_inputs()
    print(jax.jit(kernel)(*tuple(_d.values())))

</pallas_src>

<mosaic_0001>
#map = affine_map<(d0, d1) -> (0, 0)>
#map1 = affine_map<(d0, d1) -> (0)>
module attributes {stable_mosaic.version = 14 : i64} {
  func.func @k(%arg0: i32, %arg1: i32, %arg2: memref<4096x1024xf32, #tpu.memory_space<hbm>>, %arg3: memref<8192xi32, #tpu.memory_space<hbm>>, %arg4: memref<8192x1024xf32, #tpu.memory_space<hbm>>, %arg5: memref<256xi32, #tpu.memory_space<vmem>>, %arg6: memref<32x1024xf32, #tpu.memory_space<vmem>>, %arg7: memref<32x1024xf32, #tpu.memory_space<vmem>>, %arg8: memref<!tpu.dma_semaphore, #tpu.memory_space<semaphore_mem>>, %arg9: memref<!tpu.dma_semaphore, #tpu.memory_space<semaphore_mem>>) attributes {dimension_semantics = [#tpu.dimension_semantics<core_parallel>, #tpu.dimension_semantics<subcore_parallel>], iteration_bounds = array<i64: 2, 16>, scalar_prefetch = 0 : i64, scratch_operands = 5 : i64, tpu.core_type = #tpu.core_type<sc_vector_subcore>, window_params = [{transform_indices = #map}, {transform_indices = #map1}, {transform_indices = #map}]} {
    %mul3A = arith.constant 2 : i32
    %mul3A_0 = arith.muli %arg1, %mul3A : i32
    %add3A = arith.addi %mul3A_0, %arg0 : i32
    %mul3A_1 = arith.constant 256 : i32
    %mul3A_2 = arith.muli %add3A, %mul3A_1 : i32
    "tpu.region"() ({
      %run_scoped3A = tpu.sem_alloc : memref<!tpu.dma_semaphore, #tpu.memory_space<semaphore_mem>>
      %dma_start3A_97 = tpu.memref_slice %arg3[%mul3A_2] : memref<8192xi32, #tpu.memory_space<hbm>> -> memref<256xi32, #tpu.memory_space<hbm>>
      %dma_start3A_98 = tpu.memref_slice %arg3[%mul3A_2] : memref<8192xi32, #tpu.memory_space<hbm>> -> memref<256xi32, #tpu.memory_space<hbm>>
      tpu.enqueue_dma source(%dma_start3A_98 : memref<256xi32, #tpu.memory_space<hbm>>) target(%arg5 : memref<256xi32, #tpu.memory_space<vmem>>) target_semaphore(%run_scoped3A : memref<!tpu.dma_semaphore, #tpu.memory_space<semaphore_mem>>)
      %dma_wait3A_99 = tpu.memref_slice %arg3[%mul3A_2] : memref<8192xi32, #tpu.memory_space<hbm>> -> memref<256xi32, #tpu.memory_space<hbm>>
      %dma_wait3A_100 = tpu.memref_slice %arg3[%mul3A_2] : memref<8192xi32, #tpu.memory_space<hbm>> -> memref<256xi32, #tpu.memory_space<hbm>>
      tpu.wait_dma2 semaphore(%run_scoped3A : memref<!tpu.dma_semaphore, #tpu.memory_space<semaphore_mem>>) src(%dma_wait3A_100 : memref<256xi32, #tpu.memory_space<hbm>>) dst(%arg5 : memref<256xi32, #tpu.memory_space<vmem>>)
      tpu.yield
    }) : () -> ()
    %dma_start3A = arith.constant 0 : i32
    %dma_start3A_3 = tpu.memref_slice %arg5[%dma_start3A] : memref<256xi32, #tpu.memory_space<vmem>> -> memref<32xi32, #tpu.memory_space<vmem>>
    %dma_start3A_4 = arith.constant 0 : i32
    %dma_start3A_5 = arith.constant 0 : i32
    %dma_start3A_6 = tpu.memref_slice %arg2[%dma_start3A_4, %dma_start3A_5] : memref<4096x1024xf32, #tpu.memory_space<hbm>> -> memref<4096x1024xf32, #tpu.memory_space<hbm>>
    tpu.enqueue_indirect_dma source(%dma_start3A_6 : memref<4096x1024xf32, #tpu.memory_space<hbm>>) target(%arg6 : memref<32x1024xf32, #tpu.memory_space<vmem>>) offsets(%dma_start3A_3 : memref<32xi32, #tpu.memory_space<vmem>>) semaphore(%arg8 : memref<!tpu.dma_semaphore, #tpu.memory_space<semaphore_mem>>)
    %dma_start3A_7 = arith.constant 32 : i32
    %dma_start3A_8 = tpu.memref_slice %arg5[%dma_start3A_7] : memref<256xi32, #tpu.memory_space<vmem>> -> memref<32xi32, #tpu.memory_space<vmem>>
    %dma_start3A_9 = arith.constant 0 : i32
    %dma_start3A_10 = arith.constant 0 : i32
    %dma_start3A_11 = tpu.memref_slice %arg2[%dma_start3A_9, %dma_start3A_10] : memref<4096x1024xf32, #tpu.memory_space<hbm>> -> memref<4096x1024xf32, #tpu.memory_space<hbm>>
    tpu.enqueue_indirect_dma source(%dma_start3A_11 : memref<4096x1024xf32, #tpu.memory_space<hbm>>) target(%arg7 : memref<32x1024xf32, #tpu.memory_space<vmem>>) offsets(%dma_start3A_8 : memref<32xi32, #tpu.memory_space<vmem>>) semaphore(%arg9 : memref<!tpu.dma_semaphore, #tpu.memory_space<semaphore_mem>>)
    %dma_wait3A = arith.constant 0 : i32
    %dma_wait3A_12 = tpu.memref_slice %arg5[%dma_wait3A] : memref<256xi32, #tpu.memory_space<vmem>> -> memref<32xi32, #tpu.memory_space<vmem>>
    %dma_wait3A_13 = arith.constant 0 : i32
    %dma_wait3A_14 = arith.constant 0 : i32
    %dma_wait3A_15 = tpu.memref_slice %arg2[%dma_wait3A_13, %dma_wait3A_14] : memref<4096x1024xf32, #tpu.memory_space<hbm>> -> memref<4096x1024xf32, #tpu.memory_space<hbm>>
    tpu.wait_indirect_dma semaphore(%arg8 : memref<!tpu.dma_semaphore, #tpu.memory_space<semaphore_mem>>) src(%dma_wait3A_15 : memref<4096x1024xf32, #tpu.memory_space<hbm>>) dst(%arg6 : memref<32x1024xf32, #tpu.memory_space<vmem>>)
    %add3A_16 = arith.constant 0 : i32
    %add3A_17 = arith.addi %mul3A_2, %add3A_16 : i32
    "tpu.region"() ({
      %run_scoped3A = tpu.sem_alloc : memref<!tpu.dma_semaphore, #tpu.memory_space<semaphore_mem>>
      %dma_start3A_97 = arith.constant 0 : i32
      %dma_start3A_98 = tpu.memref_slice %arg4[%add3A_17, %dma_start3A_97] : memref<8192x1024xf32, #tpu.memory_space<hbm>> -> memref<32x1024xf32, #tpu.memory_space<hbm>>
      %dma_start3A_99 = arith.constant 0 : i32
      %dma_start3A_100 = tpu.memref_slice %arg4[%add3A_17, %dma_start3A_99] : memref<8192x1024xf32, #tpu.memory_space<hbm>> -> memref<32x1024xf32, #tpu.memory_space<hbm>>
      tpu.enqueue_dma source(%arg6 : memref<32x1024xf32, #tpu.memory_space<vmem>>) target(%dma_start3A_100 : memref<32x1024xf32, #tpu.memory_space<hbm>>) target_semaphore(%run_scoped3A : memref<!tpu.dma_semaphore, #tpu.memory_space<semaphore_mem>>)
      %dma_wait3A_101 = arith.constant 0 : i32
      %dma_wait3A_102 = tpu.memref_slice %arg4[%add3A_17, %dma_wait3A_101] : memref<8192x1024xf32, #tpu.memory_space<hbm>> -> memref<32x1024xf32, #tpu.memory_space<hbm>>
      %dma_wait3A_103 = arith.constant 0 : i32
      %dma_wait3A_104 = tpu.memref_slice %arg4[%add3A_17, %dma_wait3A_103] : memref<8192x1024xf32, #tpu.memory_space<hbm>> -> memref<32x1024xf32, #tpu.memory_space<hbm>>
      tpu.wait_dma2 semaphore(%run_scoped3A : memref<!tpu.dma_semaphore, #tpu.memory_space<semaphore_mem>>) src(%arg6 : memref<32x1024xf32, #tpu.memory_space<vmem>>) dst(%dma_wait3A_104 : memref<32x1024xf32, #tpu.memory_space<hbm>>)
      tpu.yield
    }) : () -> ()
    %dma_start3A_18 = arith.constant 64 : i32
    %dma_start3A_19 = tpu.memref_slice %arg5[%dma_start3A_18] : memref<256xi32, #tpu.memory_space<vmem>> -> memref<32xi32, #tpu.memory_space<vmem>>
    %dma_start3A_20 = arith.constant 0 : i32
    %dma_start3A_21 = arith.constant 0 : i32
    %dma_start3A_22 = tpu.memref_slice %arg2[%dma_start3A_20, %dma_start3A_21] : memref<4096x1024xf32, #tpu.memory_space<hbm>> -> memref<4096x1024xf32, #tpu.memory_space<hbm>>
    tpu.enqueue_indirect_dma source(%dma_start3A_22 : memref<4096x1024xf32, #tpu.memory_space<hbm>>) target(%arg6 : memref<32x1024xf32, #tpu.memory_space<vmem>>) offsets(%dma_start3A_19 : memref<32xi32, #tpu.memory_space<vmem>>) semaphore(%arg8 : memref<!tpu.dma_semaphore, #tpu.memory_space<semaphore_mem>>)
    %dma_wait3A_23 = arith.constant 32 : i32
    %dma_wait3A_24 = tpu.memref_slice %arg5[%dma_wait3A_23] : memref<256xi32, #tpu.memory_space<vmem>> -> memref<32xi32, #tpu.memory_space<vmem>>
    %dma_wait3A_25 = arith.constant 0 : i32
    %dma_wait3A_26 = arith.constant 0 : i32
    %dma_wait3A_27 = tpu.memref_slice %arg2[%dma_wait3A_25, %dma_wait3A_26] : memref<4096x1024xf32, #tpu.memory_space<hbm>> -> memref<4096x1024xf32, #tpu.memory_space<hbm>>
    tpu.wait_indirect_dma semaphore(%arg9 : memref<!tpu.dma_semaphore, #tpu.memory_space<semaphore_mem>>) src(%dma_wait3A_27 : memref<4096x1024xf32, #tpu.memory_space<hbm>>) dst(%arg7 : memref<32x1024xf32, #tpu.memory_space<vmem>>)
    %add3A_28 = arith.constant 32 : i32
    %add3A_29 = arith.addi %mul3A_2, %add3A_28 : i32
    "tpu.region"() ({
      %run_scoped3A = tpu.sem_alloc : memref<!tpu.dma_semaphore, #tpu.memory_space<semaphore_mem>>
      %dma_start3A_97 = arith.constant 0 : i32
      %dma_start3A_98 = tpu.memref_slice %arg4[%add3A_29, %dma_start3A_97] : memref<8192x1024xf32, #tpu.memory_space<hbm>> -> memref<32x1024xf32, #tpu.memory_space<hbm>>
      %dma_start3A_99 = arith.constant 0 : i32
      %dma_start3A_100 = tpu.memref_slice %arg4[%add3A_29, %dma_start3A_99] : memref<8192x1024xf32, #tpu.memory_space<hbm>> -> memref<32x1024xf32, #tpu.memory_space<hbm>>
      tpu.enqueue_dma source(%arg7 : memref<32x1024xf32, #tpu.memory_space<vmem>>) target(%dma_start3A_100 : memref<32x1024xf32, #tpu.memory_space<hbm>>) target_semaphore(%run_scoped3A : memref<!tpu.dma_semaphore, #tpu.memory_space<semaphore_mem>>)
      %dma_wait3A_101 = arith.constant 0 : i32
      %dma_wait3A_102 = tpu.memref_slice %arg4[%add3A_29, %dma_wait3A_101] : memref<8192x1024xf32, #tpu.memory_space<hbm>> -> memref<32x1024xf32, #tpu.memory_space<hbm>>
      %dma_wait3A_103 = arith.constant 0 : i32
      %dma_wait3A_104 = tpu.memref_slice %arg4[%add3A_29, %dma_wait3A_103] : memref<8192x1024xf32, #tpu.memory_space<hbm>> -> memref<32x1024xf32, #tpu.memory_space<hbm>>
      tpu.wait_dma2 semaphore(%run_scoped3A : memref<!tpu.dma_semaphore, #tpu.memory_space<semaphore_mem>>) src(%arg7 : memref<32x1024xf32, #tpu.memory_space<vmem>>) dst(%dma_wait3A_104 : memref<32x1024xf32, #tpu.memory_space<hbm>>)
      tpu.yield
    }) : () -> ()
    %dma_start3A_30 = arith.constant 96 : i32
    %dma_start3A_31 = tpu.memref_slice %arg5[%dma_start3A_30] : memref<256xi32, #tpu.memory_space<vmem>> -> memref<32xi32, #tpu.memory_space<vmem>>
    %dma_start3A_32 = arith.constant 0 : i32
    %dma_start3A_33 = arith.constant 0 : i32
    %dma_start3A_34 = tpu.memref_slice %arg2[%dma_start3A_32, %dma_start3A_33] : memref<4096x1024xf32, #tpu.memory_space<hbm>> -> memref<4096x1024xf32, #tpu.memory_space<hbm>>
    tpu.enqueue_indirect_dma source(%dma_start3A_34 : memref<4096x1024xf32, #tpu.memory_space<hbm>>) target(%arg7 : memref<32x1024xf32, #tpu.memory_space<vmem>>) offsets(%dma_start3A_31 : memref<32xi32, #tpu.memory_space<vmem>>) semaphore(%arg9 : memref<!tpu.dma_semaphore, #tpu.memory_space<semaphore_mem>>)
    %dma_wait3A_35 = arith.constant 64 : i32
    %dma_wait3A_36 = tpu.memref_slice %arg5[%dma_wait3A_35] : memref<256xi32, #tpu.memory_space<vmem>> -> memref<32xi32, #tpu.memory_space<vmem>>
    %dma_wait3A_37 = arith.constant 0 : i32
    %dma_wait3A_38 = arith.constant 0 : i32
    %dma_wait3A_39 = tpu.memref_slice %arg2[%dma_wait3A_37, %dma_wait3A_38] : memref<4096x1024xf32, #tpu.memory_space<hbm>> -> memref<4096x1024xf32, #tpu.memory_space<hbm>>
    tpu.wait_indirect_dma semaphore(%arg8 : memref<!tpu.dma_semaphore, #tpu.memory_space<semaphore_mem>>) src(%dma_wait3A_39 : memref<4096x1024xf32, #tpu.memory_space<hbm>>) dst(%arg6 : memref<32x1024xf32, #tpu.memory_space<vmem>>)
    %add3A_40 = arith.constant 64 : i32
    %add3A_41 = arith.addi %mul3A_2, %add3A_40 : i32
    "tpu.region"() ({
      %run_scoped3A = tpu.sem_alloc : memref<!tpu.dma_semaphore, #tpu.memory_space<semaphore_mem>>
      %dma_start3A_97 = arith.constant 0 : i32
      %dma_start3A_98 = tpu.memref_slice %arg4[%add3A_41, %dma_start3A_97] : memref<8192x1024xf32, #tpu.memory_space<hbm>> -> memref<32x1024xf32, #tpu.memory_space<hbm>>
      %dma_start3A_99 = arith.constant 0 : i32
      %dma_start3A_100 = tpu.memref_slice %arg4[%add3A_41, %dma_start3A_99] : memref<8192x1024xf32, #tpu.memory_space<hbm>> -> memref<32x1024xf32, #tpu.memory_space<hbm>>
      tpu.enqueue_dma source(%arg6 : memref<32x1024xf32, #tpu.memory_space<vmem>>) target(%dma_start3A_100 : memref<32x1024xf32, #tpu.memory_space<hbm>>) target_semaphore(%run_scoped3A : memref<!tpu.dma_semaphore, #tpu.memory_space<semaphore_mem>>)
      %dma_wait3A_101 = arith.constant 0 : i32
      %dma_wait3A_102 = tpu.memref_slice %arg4[%add3A_41, %dma_wait3A_101] : memref<8192x1024xf32, #tpu.memory_space<hbm>> -> memref<32x1024xf32, #tpu.memory_space<hbm>>
      %dma_wait3A_103 = arith.constant 0 : i32
      %dma_wait3A_104 = tpu.memref_slice %arg4[%add3A_41, %dma_wait3A_103] : memref<8192x1024xf32, #tpu.memory_space<hbm>> -> memref<32x1024xf32, #tpu.memory_space<hbm>>
      tpu.wait_dma2 semaphore(%run_scoped3A : memref<!tpu.dma_semaphore, #tpu.memory_space<semaphore_mem>>) src(%arg6 : memref<32x1024xf32, #tpu.memory_space<vmem>>) dst(%dma_wait3A_104 : memref<32x1024xf32, #tpu.memory_space<hbm>>)
      tpu.yield
    }) : () -> ()
    %dma_start3A_42 = arith.constant 128 : i32
    %dma_start3A_43 = tpu.memref_slice %arg5[%dma_start3A_42] : memref<256xi32, #tpu.memory_space<vmem>> -> memref<32xi32, #tpu.memory_space<vmem>>
    %dma_start3A_44 = arith.constant 0 : i32
    %dma_start3A_45 = arith.constant 0 : i32
    %dma_start3A_46 = tpu.memref_slice %arg2[%dma_start3A_44, %dma_start3A_45] : memref<4096x1024xf32, #tpu.memory_space<hbm>> -> memref<4096x1024xf32, #tpu.memory_space<hbm>>
    tpu.enqueue_indirect_dma source(%dma_start3A_46 : memref<4096x1024xf32, #tpu.memory_space<hbm>>) target(%arg6 : memref<32x1024xf32, #tpu.memory_space<vmem>>) offsets(%dma_start3A_43 : memref<32xi32, #tpu.memory_space<vmem>>) semaphore(%arg8 : memref<!tpu.dma_semaphore, #tpu.memory_space<semaphore_mem>>)
    %dma_wait3A_47 = arith.constant 96 : i32
    %dma_wait3A_48 = tpu.memref_slice %arg5[%dma_wait3A_47] : memref<256xi32, #tpu.memory_space<vmem>> -> memref<32xi32, #tpu.memory_space<vmem>>
    %dma_wait3A_49 = arith.constant 0 : i32
    %dma_wait3A_50 = arith.constant 0 : i32
    %dma_wait3A_51 = tpu.memref_slice %arg2[%dma_wait3A_49, %dma_wait3A_50] : memref<4096x1024xf32, #tpu.memory_space<hbm>> -> memref<4096x1024xf32, #tpu.memory_space<hbm>>
    tpu.wait_indirect_dma semaphore(%arg9 : memref<!tpu.dma_semaphore, #tpu.memory_space<semaphore_mem>>) src(%dma_wait3A_51 : memref<4096x1024xf32, #tpu.memory_space<hbm>>) dst(%arg7 : memref<32x1024xf32, #tpu.memory_space<vmem>>)
    %add3A_52 = arith.constant 96 : i32
    %add3A_53 = arith.addi %mul3A_2, %add3A_52 : i32
    "tpu.region"() ({
      %run_scoped3A = tpu.sem_alloc : memref<!tpu.dma_semaphore, #tpu.memory_space<semaphore_mem>>
      %dma_start3A_97 = arith.constant 0 : i32
      %dma_start3A_98 = tpu.memref_slice %arg4[%add3A_53, %dma_start3A_97] : memref<8192x1024xf32, #tpu.memory_space<hbm>> -> memref<32x1024xf32, #tpu.memory_space<hbm>>
      %dma_start3A_99 = arith.constant 0 : i32
      %dma_start3A_100 = tpu.memref_slice %arg4[%add3A_53, %dma_start3A_99] : memref<8192x1024xf32, #tpu.memory_space<hbm>> -> memref<32x1024xf32, #tpu.memory_space<hbm>>
      tpu.enqueue_dma source(%arg7 : memref<32x1024xf32, #tpu.memory_space<vmem>>) target(%dma_start3A_100 : memref<32x1024xf32, #tpu.memory_space<hbm>>) target_semaphore(%run_scoped3A : memref<!tpu.dma_semaphore, #tpu.memory_space<semaphore_mem>>)
      %dma_wait3A_101 = arith.constant 0 : i32
      %dma_wait3A_102 = tpu.memref_slice %arg4[%add3A_53, %dma_wait3A_101] : memref<8192x1024xf32, #tpu.memory_space<hbm>> -> memref<32x1024xf32, #tpu.memory_space<hbm>>
      %dma_wait3A_103 = arith.constant 0 : i32
      %dma_wait3A_104 = tpu.memref_slice %arg4[%add3A_53, %dma_wait3A_103] : memref<8192x1024xf32, #tpu.memory_space<hbm>> -> memref<32x1024xf32, #tpu.memory_space<hbm>>
      tpu.wait_dma2 semaphore(%run_scoped3A : memref<!tpu.dma_semaphore, #tpu.memory_space<semaphore_mem>>) src(%arg7 : memref<32x1024xf32, #tpu.memory_space<vmem>>) dst(%dma_wait3A_104 : memref<32x1024xf32, #tpu.memory_space<hbm>>)
      tpu.yield
    }) : () -> ()
    %dma_start3A_54 = arith.constant 160 : i32
    %dma_start3A_55 = tpu.memref_slice %arg5[%dma_start3A_54] : memref<256xi32, #tpu.memory_space<vmem>> -> memref<32xi32, #tpu.memory_space<vmem>>
    %dma_start3A_56 = arith.constant 0 : i32
    %dma_start3A_57 = arith.constant 0 : i32
    %dma_start3A_58 = tpu.memref_slice %arg2[%dma_start3A_56, %dma_start3A_57] : memref<4096x1024xf32, #tpu.memory_space<hbm>> -> memref<4096x1024xf32, #tpu.memory_space<hbm>>
    tpu.enqueue_indirect_dma source(%dma_start3A_58 : memref<4096x1024xf32, #tpu.memory_space<hbm>>) target(%arg7 : memref<32x1024xf32, #tpu.memory_space<vmem>>) offsets(%dma_start3A_55 : memref<32xi32, #tpu.memory_space<vmem>>) semaphore(%arg9 : memref<!tpu.dma_semaphore, #tpu.memory_space<semaphore_mem>>)
    %dma_wait3A_59 = arith.constant 128 : i32
    %dma_wait3A_60 = tpu.memref_slice %arg5[%dma_wait3A_59] : memref<256xi32, #tpu.memory_space<vmem>> -> memref<32xi32, #tpu.memory_space<vmem>>
    %dma_wait3A_61 = arith.constant 0 : i32
    %dma_wait3A_62 = arith.constant 0 : i32
    %dma_wait3A_63 = tpu.memref_slice %arg2[%dma_wait3A_61, %dma_wait3A_62] : memref<4096x1024xf32, #tpu.memory_space<hbm>> -> memref<4096x1024xf32, #tpu.memory_space<hbm>>
    tpu.wait_indirect_dma semaphore(%arg8 : memref<!tpu.dma_semaphore, #tpu.memory_space<semaphore_mem>>) src(%dma_wait3A_63 : memref<4096x1024xf32, #tpu.memory_space<hbm>>) dst(%arg6 : memref<32x1024xf32, #tpu.memory_space<vmem>>)
    %add3A_64 = arith.constant 128 : i32
    %add3A_65 = arith.addi %mul3A_2, %add3A_64 : i32
    "tpu.region"() ({
      %run_scoped3A = tpu.sem_alloc : memref<!tpu.dma_semaphore, #tpu.memory_space<semaphore_mem>>
      %dma_start3A_97 = arith.constant 0 : i32
      %dma_start3A_98 = tpu.memref_slice %arg4[%add3A_65, %dma_start3A_97] : memref<8192x1024xf32, #tpu.memory_space<hbm>> -> memref<32x1024xf32, #tpu.memory_space<hbm>>
      %dma_start3A_99 = arith.constant 0 : i32
      %dma_start3A_100 = tpu.memref_slice %arg4[%add3A_65, %dma_start3A_99] : memref<8192x1024xf32, #tpu.memory_space<hbm>> -> memref<32x1024xf32, #tpu.memory_space<hbm>>
      tpu.enqueue_dma source(%arg6 : memref<32x1024xf32, #tpu.memory_space<vmem>>) target(%dma_start3A_100 : memref<32x1024xf32, #tpu.memory_space<hbm>>) target_semaphore(%run_scoped3A : memref<!tpu.dma_semaphore, #tpu.memory_space<semaphore_mem>>)
      %dma_wait3A_101 = arith.constant 0 : i32
      %dma_wait3A_102 = tpu.memref_slice %arg4[%add3A_65, %dma_wait3A_101] : memref<8192x1024xf32, #tpu.memory_space<hbm>> -> memref<32x1024xf32, #tpu.memory_space<hbm>>
      %dma_wait3A_103 = arith.constant 0 : i32
      %dma_wait3A_104 = tpu.memref_slice %arg4[%add3A_65, %dma_wait3A_103] : memref<8192x1024xf32, #tpu.memory_space<hbm>> -> memref<32x1024xf32, #tpu.memory_space<hbm>>
      tpu.wait_dma2 semaphore(%run_scoped3A : memref<!tpu.dma_semaphore, #tpu.memory_space<semaphore_mem>>) src(%arg6 : memref<32x1024xf32, #tpu.memory_space<vmem>>) dst(%dma_wait3A_104 : memref<32x1024xf32, #tpu.memory_space<hbm>>)
      tpu.yield
    }) : () -> ()
    %dma_start3A_66 = arith.constant 192 : i32
    %dma_start3A_67 = tpu.memref_slice %arg5[%dma_start3A_66] : memref<256xi32, #tpu.memory_space<vmem>> -> memref<32xi32, #tpu.memory_space<vmem>>
    %dma_start3A_68 = arith.constant 0 : i32
    %dma_start3A_69 = arith.constant 0 : i32
    %dma_start3A_70 = tpu.memref_slice %arg2[%dma_start3A_68, %dma_start3A_69] : memref<4096x1024xf32, #tpu.memory_space<hbm>> -> memref<4096x1024xf32, #tpu.memory_space<hbm>>
    tpu.enqueue_indirect_dma source(%dma_start3A_70 : memref<4096x1024xf32, #tpu.memory_space<hbm>>) target(%arg6 : memref<32x1024xf32, #tpu.memory_space<vmem>>) offsets(%dma_start3A_67 : memref<32xi32, #tpu.memory_space<vmem>>) semaphore(%arg8 : memref<!tpu.dma_semaphore, #tpu.memory_space<semaphore_mem>>)
    %dma_wait3A_71 = arith.constant 160 : i32
    %dma_wait3A_72 = tpu.memref_slice %arg5[%dma_wait3A_71] : memref<256xi32, #tpu.memory_space<vmem>> -> memref<32xi32, #tpu.memory_space<vmem>>
    %dma_wait3A_73 = arith.constant 0 : i32
    %dma_wait3A_74 = arith.constant 0 : i32
    %dma_wait3A_75 = tpu.memref_slice %arg2[%dma_wait3A_73, %dma_wait3A_74] : memref<4096x1024xf32, #tpu.memory_space<hbm>> -> memref<4096x1024xf32, #tpu.memory_space<hbm>>
    tpu.wait_indirect_dma semaphore(%arg9 : memref<!tpu.dma_semaphore, #tpu.memory_space<semaphore_mem>>) src(%dma_wait3A_75 : memref<4096x1024xf32, #tpu.memory_space<hbm>>) dst(%arg7 : memref<32x1024xf32, #tpu.memory_space<vmem>>)
    %add3A_76 = arith.constant 160 : i32
    %add3A_77 = arith.addi %mul3A_2, %add3A_76 : i32
    "tpu.region"() ({
      %run_scoped3A = tpu.sem_alloc : memref<!tpu.dma_semaphore, #tpu.memory_space<semaphore_mem>>
      %dma_start3A_97 = arith.constant 0 : i32
      %dma_start3A_98 = tpu.memref_slice %arg4[%add3A_77, %dma_start3A_97] : memref<8192x1024xf32, #tpu.memory_space<hbm>> -> memref<32x1024xf32, #tpu.memory_space<hbm>>
      %dma_start3A_99 = arith.constant 0 : i32
      %dma_start3A_100 = tpu.memref_slice %arg4[%add3A_77, %dma_start3A_99] : memref<8192x1024xf32, #tpu.memory_space<hbm>> -> memref<32x1024xf32, #tpu.memory_space<hbm>>
      tpu.enqueue_dma source(%arg7 : memref<32x1024xf32, #tpu.memory_space<vmem>>) target(%dma_start3A_100 : memref<32x1024xf32, #tpu.memory_space<hbm>>) target_semaphore(%run_scoped3A : memref<!tpu.dma_semaphore, #tpu.memory_space<semaphore_mem>>)
      %dma_wait3A_101 = arith.constant 0 : i32
      %dma_wait3A_102 = tpu.memref_slice %arg4[%add3A_77, %dma_wait3A_101] : memref<8192x1024xf32, #tpu.memory_space<hbm>> -> memref<32x1024xf32, #tpu.memory_space<hbm>>
      %dma_wait3A_103 = arith.constant 0 : i32
      %dma_wait3A_104 = tpu.memref_slice %arg4[%add3A_77, %dma_wait3A_103] : memref<8192x1024xf32, #tpu.memory_space<hbm>> -> memref<32x1024xf32, #tpu.memory_space<hbm>>
      tpu.wait_dma2 semaphore(%run_scoped3A : memref<!tpu.dma_semaphore, #tpu.memory_space<semaphore_mem>>) src(%arg7 : memref<32x1024xf32, #tpu.memory_space<vmem>>) dst(%dma_wait3A_104 : memref<32x1024xf32, #tpu.memory_space<hbm>>)
      tpu.yield
    }) : () -> ()
    %dma_start3A_78 = arith.constant 224 : i32
    %dma_start3A_79 = tpu.memref_slice %arg5[%dma_start3A_78] : memref<256xi32, #tpu.memory_space<vmem>> -> memref<32xi32, #tpu.memory_space<vmem>>
    %dma_start3A_80 = arith.constant 0 : i32
    %dma_start3A_81 = arith.constant 0 : i32
    %dma_start3A_82 = tpu.memref_slice %arg2[%dma_start3A_80, %dma_start3A_81] : memref<4096x1024xf32, #tpu.memory_space<hbm>> -> memref<4096x1024xf32, #tpu.memory_space<hbm>>
    tpu.enqueue_indirect_dma source(%dma_start3A_82 : memref<4096x1024xf32, #tpu.memory_space<hbm>>) target(%arg7 : memref<32x1024xf32, #tpu.memory_space<vmem>>) offsets(%dma_start3A_79 : memref<32xi32, #tpu.memory_space<vmem>>) semaphore(%arg9 : memref<!tpu.dma_semaphore, #tpu.memory_space<semaphore_mem>>)
    %dma_wait3A_83 = arith.constant 192 : i32
    %dma_wait3A_84 = tpu.memref_slice %arg5[%dma_wait3A_83] : memref<256xi32, #tpu.memory_space<vmem>> -> memref<32xi32, #tpu.memory_space<vmem>>
    %dma_wait3A_85 = arith.constant 0 : i32
    %dma_wait3A_86 = arith.constant 0 : i32
    %dma_wait3A_87 = tpu.memref_slice %arg2[%dma_wait3A_85, %dma_wait3A_86] : memref<4096x1024xf32, #tpu.memory_space<hbm>> -> memref<4096x1024xf32, #tpu.memory_space<hbm>>
    tpu.wait_indirect_dma semaphore(%arg8 : memref<!tpu.dma_semaphore, #tpu.memory_space<semaphore_mem>>) src(%dma_wait3A_87 : memref<4096x1024xf32, #tpu.memory_space<hbm>>) dst(%arg6 : memref<32x1024xf32, #tpu.memory_space<vmem>>)
    %add3A_88 = arith.constant 192 : i32
    %add3A_89 = arith.addi %mul3A_2, %add3A_88 : i32
    "tpu.region"() ({
      %run_scoped3A = tpu.sem_alloc : memref<!tpu.dma_semaphore, #tpu.memory_space<semaphore_mem>>
      %dma_start3A_97 = arith.constant 0 : i32
      %dma_start3A_98 = tpu.memref_slice %arg4[%add3A_89, %dma_start3A_97] : memref<8192x1024xf32, #tpu.memory_space<hbm>> -> memref<32x1024xf32, #tpu.memory_space<hbm>>
      %dma_start3A_99 = arith.constant 0 : i32
      %dma_start3A_100 = tpu.memref_slice %arg4[%add3A_89, %dma_start3A_99] : memref<8192x1024xf32, #tpu.memory_space<hbm>> -> memref<32x1024xf32, #tpu.memory_space<hbm>>
      tpu.enqueue_dma source(%arg6 : memref<32x1024xf32, #tpu.memory_space<vmem>>) target(%dma_start3A_100 : memref<32x1024xf32, #tpu.memory_space<hbm>>) target_semaphore(%run_scoped3A : memref<!tpu.dma_semaphore, #tpu.memory_space<semaphore_mem>>)
      %dma_wait3A_101 = arith.constant 0 : i32
      %dma_wait3A_102 = tpu.memref_slice %arg4[%add3A_89, %dma_wait3A_101] : memref<8192x1024xf32, #tpu.memory_space<hbm>> -> memref<32x1024xf32, #tpu.memory_space<hbm>>
      %dma_wait3A_103 = arith.constant 0 : i32
      %dma_wait3A_104 = tpu.memref_slice %arg4[%add3A_89, %dma_wait3A_103] : memref<8192x1024xf32, #tpu.memory_space<hbm>> -> memref<32x1024xf32, #tpu.memory_space<hbm>>
      tpu.wait_dma2 semaphore(%run_scoped3A : memref<!tpu.dma_semaphore, #tpu.memory_space<semaphore_mem>>) src(%arg6 : memref<32x1024xf32, #tpu.memory_space<vmem>>) dst(%dma_wait3A_104 : memref<32x1024xf32, #tpu.memory_space<hbm>>)
      tpu.yield
    }) : () -> ()
    %dma_wait3A_90 = arith.constant 224 : i32
    %dma_wait3A_91 = tpu.memref_slice %arg5[%dma_wait3A_90] : memref<256xi32, #tpu.memory_space<vmem>> -> memref<32xi32, #tpu.memory_space<vmem>>
    %dma_wait3A_92 = arith.constant 0 : i32
    %dma_wait3A_93 = arith.constant 0 : i32
    %dma_wait3A_94 = tpu.memref_slice %arg2[%dma_wait3A_92, %dma_wait3A_93] : memref<4096x1024xf32, #tpu.memory_space<hbm>> -> memref<4096x1024xf32, #tpu.memory_space<hbm>>
    tpu.wait_indirect_dma semaphore(%arg9 : memref<!tpu.dma_semaphore, #tpu.memory_space<semaphore_mem>>) src(%dma_wait3A_94 : memref<4096x1024xf32, #tpu.memory_space<hbm>>) dst(%arg7 : memref<32x1024xf32, #tpu.memory_space<vmem>>)
    %add3A_95 = arith.constant 224 : i32
    %add3A_96 = arith.addi %mul3A_2, %add3A_95 : i32
    "tpu.region"() ({
      %run_scoped3A = tpu.sem_alloc : memref<!tpu.dma_semaphore, #tpu.memory_space<semaphore_mem>>
      %dma_start3A_97 = arith.constant 0 : i32
      %dma_start3A_98 = tpu.memref_slice %arg4[%add3A_96, %dma_start3A_97] : memref<8192x1024xf32, #tpu.memory_space<hbm>> -> memref<32x1024xf32, #tpu.memory_space<hbm>>
      %dma_start3A_99 = arith.constant 0 : i32
      %dma_start3A_100 = tpu.memref_slice %arg4[%add3A_96, %dma_start3A_99] : memref<8192x1024xf32, #tpu.memory_space<hbm>> -> memref<32x1024xf32, #tpu.memory_space<hbm>>
      tpu.enqueue_dma source(%arg7 : memref<32x1024xf32, #tpu.memory_space<vmem>>) target(%dma_start3A_100 : memref<32x1024xf32, #tpu.memory_space<hbm>>) target_semaphore(%run_scoped3A : memref<!tpu.dma_semaphore, #tpu.memory_space<semaphore_mem>>)
      %dma_wait3A_101 = arith.constant 0 : i32
      %dma_wait3A_102 = tpu.memref_slice %arg4[%add3A_96, %dma_wait3A_101] : memref<8192x1024xf32, #tpu.memory_space<hbm>> -> memref<32x1024xf32, #tpu.memory_space<hbm>>
      %dma_wait3A_103 = arith.constant 0 : i32
      %dma_wait3A_104 = tpu.memref_slice %arg4[%add3A_96, %dma_wait3A_103] : memref<8192x1024xf32, #tpu.memory_space<hbm>> -> memref<32x1024xf32, #tpu.memory_space<hbm>>
      tpu.wait_dma2 semaphore(%run_scoped3A : memref<!tpu.dma_semaphore, #tpu.memory_space<semaphore_mem>>) src(%arg7 : memref<32x1024xf32, #tpu.memory_space<vmem>>) dst(%dma_wait3A_104 : memref<32x1024xf32, #tpu.memory_space<hbm>>)
      tpu.yield
    }) : () -> ()
    return
  }
}

#map = affine_map<(d0, d1) -> (0, 0)>
#map1 = affine_map<(d0, d1) -> (0)>
module attributes {stable_mosaic.version = 14 : i64} {
  func.func @k(%arg0: i32, %arg1: i32, %arg2: memref<8192x1024xf32, #tpu.memory_space<hbm>>, %arg3: memref<4096xi32, #tpu.memory_space<hbm>>, %arg4: memref<4096xi32, #tpu.memory_space<hbm>>, %arg5: memref<4096x16xf32, #tpu.memory_space<hbm>>, %arg6: memref<4096x16xf32, #tpu.memory_space<hbm>>, %arg7: memref<4096x1024xf32, #tpu.memory_space<hbm>>, %arg8: memref<128xi32, #tpu.memory_space<vmem>>, %arg9: memref<128xi32, #tpu.memory_space<vmem>>, %arg10: memref<128x16xf32, #tpu.memory_space<vmem>>, %arg11: memref<128x16xf32, #tpu.memory_space<vmem>>, %arg12: memref<32x1024xf32, #tpu.memory_space<vmem>>, %arg13: memref<32x1024xf32, #tpu.memory_space<vmem>>, %arg14: memref<!tpu.dma_semaphore, #tpu.memory_space<semaphore_mem>>, %arg15: memref<!tpu.dma_semaphore, #tpu.memory_space<semaphore_mem>>) attributes {dimension_semantics = [#tpu.dimension_semantics<core_parallel>, #tpu.dimension_semantics<subcore_parallel>], iteration_bounds = array<i64: 2, 16>, scalar_prefetch = 0 : i64, scratch_operands = 8 : i64, tpu.core_type = #tpu.core_type<sc_vector_subcore>, window_params = [{transform_indices = #map}, {transform_indices = #map1}, {transform_indices = #map1}, {transform_indices = #map}, {transform_indices = #map}, {transform_indices = #map}]} {
    %mul3A = arith.constant 2 : i32
    %mul3A_0 = arith.muli %arg1, %mul3A : i32
    %add3A = arith.addi %mul3A_0, %arg0 : i32
    %mul3A_1 = arith.constant 128 : i32
    %mul3A_2 = arith.muli %add3A, %mul3A_1 : i32
    "tpu.region"() ({
      %run_scoped3A = tpu.sem_alloc : memref<!tpu.dma_semaphore, #tpu.memory_space<semaphore_mem>>
      %dma_start3A = tpu.memref_slice %arg3[%mul3A_2] : memref<4096xi32, #tpu.memory_space<hbm>> -> memref<128xi32, #tpu.memory_space<hbm>>
      %dma_start3A_8 = tpu.memref_slice %arg3[%mul3A_2] : memref<4096xi32, #tpu.memory_space<hbm>> -> memref<128xi32, #tpu.memory_space<hbm>>
      tpu.enqueue_dma source(%dma_start3A_8 : memref<128xi32, #tpu.memory_space<hbm>>) target(%arg8 : memref<128xi32, #tpu.memory_space<vmem>>) target_semaphore(%run_scoped3A : memref<!tpu.dma_semaphore, #tpu.memory_space<semaphore_mem>>)
      %dma_wait3A = tpu.memref_slice %arg3[%mul3A_2] : memref<4096xi32, #tpu.memory_space<hbm>> -> memref<128xi32, #tpu.memory_space<hbm>>
      %dma_wait3A_9 = tpu.memref_slice %arg3[%mul3A_2] : memref<4096xi32, #tpu.memory_space<hbm>> -> memref<128xi32, #tpu.memory_space<hbm>>
      tpu.wait_dma2 semaphore(%run_scoped3A : memref<!tpu.dma_semaphore, #tpu.memory_space<semaphore_mem>>) src(%dma_wait3A_9 : memref<128xi32, #tpu.memory_space<hbm>>) dst(%arg8 : memref<128xi32, #tpu.memory_space<vmem>>)
      tpu.yield
    }) : () -> ()
    "tpu.region"() ({
      %run_scoped3A = tpu.sem_alloc : memref<!tpu.dma_semaphore, #tpu.memory_space<semaphore_mem>>
      %dma_start3A = tpu.memref_slice %arg4[%mul3A_2] : memref<4096xi32, #tpu.memory_space<hbm>> -> memref<128xi32, #tpu.memory_space<hbm>>
      %dma_start3A_8 = tpu.memref_slice %arg4[%mul3A_2] : memref<4096xi32, #tpu.memory_space<hbm>> -> memref<128xi32, #tpu.memory_space<hbm>>
      tpu.enqueue_dma source(%dma_start3A_8 : memref<128xi32, #tpu.memory_space<hbm>>) target(%arg9 : memref<128xi32, #tpu.memory_space<vmem>>) target_semaphore(%run_scoped3A : memref<!tpu.dma_semaphore, #tpu.memory_space<semaphore_mem>>)
      %dma_wait3A = tpu.memref_slice %arg4[%mul3A_2] : memref<4096xi32, #tpu.memory_space<hbm>> -> memref<128xi32, #tpu.memory_space<hbm>>
      %dma_wait3A_9 = tpu.memref_slice %arg4[%mul3A_2] : memref<4096xi32, #tpu.memory_space<hbm>> -> memref<128xi32, #tpu.memory_space<hbm>>
      tpu.wait_dma2 semaphore(%run_scoped3A : memref<!tpu.dma_semaphore, #tpu.memory_space<semaphore_mem>>) src(%dma_wait3A_9 : memref<128xi32, #tpu.memory_space<hbm>>) dst(%arg9 : memref<128xi32, #tpu.memory_space<vmem>>)
      tpu.yield
    }) : () -> ()
    "tpu.region"() ({
      %run_scoped3A = tpu.sem_alloc : memref<!tpu.dma_semaphore, #tpu.memory_space<semaphore_mem>>
      %dma_start3A = arith.constant 0 : i32
      %dma_start3A_8 = tpu.memref_slice %arg5[%mul3A_2, %dma_start3A] : memref<4096x16xf32, #tpu.memory_space<hbm>> -> memref<128x16xf32, #tpu.memory_space<hbm>>
      %dma_start3A_9 = arith.constant 0 : i32
      %dma_start3A_10 = tpu.memref_slice %arg5[%mul3A_2, %dma_start3A_9] : memref<4096x16xf32, #tpu.memory_space<hbm>> -> memref<128x16xf32, #tpu.memory_space<hbm>>
      tpu.enqueue_dma source(%dma_start3A_10 : memref<128x16xf32, #tpu.memory_space<hbm>>) target(%arg10 : memref<128x16xf32, #tpu.memory_space<vmem>>) target_semaphore(%run_scoped3A : memref<!tpu.dma_semaphore, #tpu.memory_space<semaphore_mem>>)
      %dma_wait3A = arith.constant 0 : i32
      %dma_wait3A_11 = tpu.memref_slice %arg5[%mul3A_2, %dma_wait3A] : memref<4096x16xf32, #tpu.memory_space<hbm>> -> memref<128x16xf32, #tpu.memory_space<hbm>>
      %dma_wait3A_12 = arith.constant 0 : i32
      %dma_wait3A_13 = tpu.memref_slice %arg5[%mul3A_2, %dma_wait3A_12] : memref<4096x16xf32, #tpu.memory_space<hbm>> -> memref<128x16xf32, #tpu.memory_space<hbm>>
      tpu.wait_dma2 semaphore(%run_scoped3A : memref<!tpu.dma_semaphore, #tpu.memory_space<semaphore_mem>>) src(%dma_wait3A_13 : memref<128x16xf32, #tpu.memory_space<hbm>>) dst(%arg10 : memref<128x16xf32, #tpu.memory_space<vmem>>)
      tpu.yield
    }) : () -> ()
    "tpu.region"() ({
      %run_scoped3A = tpu.sem_alloc : memref<!tpu.dma_semaphore, #tpu.memory_space<semaphore_mem>>
      %dma_start3A = arith.constant 0 : i32
      %dma_start3A_8 = tpu.memref_slice %arg6[%mul3A_2, %dma_start3A] : memref<4096x16xf32, #tpu.memory_space<hbm>> -> memref<128x16xf32, #tpu.memory_space<hbm>>
      %dma_start3A_9 = arith.constant 0 : i32
      %dma_start3A_10 = tpu.memref_slice %arg6[%mul3A_2, %dma_start3A_9] : memref<4096x16xf32, #tpu.memory_space<hbm>> -> memref<128x16xf32, #tpu.memory_space<hbm>>
      tpu.enqueue_dma source(%dma_start3A_10 : memref<128x16xf32, #tpu.memory_space<hbm>>) target(%arg11 : memref<128x16xf32, #tpu.memory_space<vmem>>) target_semaphore(%run_scoped3A : memref<!tpu.dma_semaphore, #tpu.memory_space<semaphore_mem>>)
      %dma_wait3A = arith.constant 0 : i32
      %dma_wait3A_11 = tpu.memref_slice %arg6[%mul3A_2, %dma_wait3A] : memref<4096x16xf32, #tpu.memory_space<hbm>> -> memref<128x16xf32, #tpu.memory_space<hbm>>
      %dma_wait3A_12 = arith.constant 0 : i32
      %dma_wait3A_13 = tpu.memref_slice %arg6[%mul3A_2, %dma_wait3A_12] : memref<4096x16xf32, #tpu.memory_space<hbm>> -> memref<128x16xf32, #tpu.memory_space<hbm>>
      tpu.wait_dma2 semaphore(%run_scoped3A : memref<!tpu.dma_semaphore, #tpu.memory_space<semaphore_mem>>) src(%dma_wait3A_13 : memref<128x16xf32, #tpu.memory_space<hbm>>) dst(%arg11 : memref<128x16xf32, #tpu.memory_space<vmem>>)
      tpu.yield
    }) : () -> ()
    %scan3A = arith.constant 0 : i32
    %scan3A_3 = arith.constant 0 : i32
    %scan3A_4 = arith.constant 4 : i32
    %scan3A_5 = arith.addi %scan3A_3, %scan3A_4 : i32
    %scan3A_6 = arith.constant 1 : i32
    scf.for %scan3A_8 = %scan3A_3 to %scan3A_5 step %scan3A_6  : i32 {
      %mul3A_9 = arith.constant 32 : i32
      %mul3A_10 = arith.muli %scan3A_8, %mul3A_9 : i32
      %add3A_11 = arith.addi %mul3A_2, %mul3A_10 : i32
      %mul3A_12 = arith.constant 32 : i32
      %mul3A_13 = arith.muli %scan3A_8, %mul3A_12 : i32
      %dma_start3A = tpu.memref_slice %arg8[%mul3A_13] : memref<128xi32, #tpu.memory_space<vmem>> -> memref<32xi32, #tpu.memory_space<vmem>>
      %dma_start3A_14 = arith.constant 0 : i32
      %dma_start3A_15 = arith.constant 0 : i32
      %dma_start3A_16 = tpu.memref_slice %arg2[%dma_start3A_14, %dma_start3A_15] : memref<8192x1024xf32, #tpu.memory_space<hbm>> -> memref<8192x1024xf32, #tpu.memory_space<hbm>>
      tpu.enqueue_indirect_dma source(%dma_start3A_16 : memref<8192x1024xf32, #tpu.memory_space<hbm>>) target(%arg12 : memref<32x1024xf32, #tpu.memory_space<vmem>>) offsets(%dma_start3A : memref<32xi32, #tpu.memory_space<vmem>>) semaphore(%arg14 : memref<!tpu.dma_semaphore, #tpu.memory_space<semaphore_mem>>)
      %mul3A_17 = arith.constant 32 : i32
      %mul3A_18 = arith.muli %scan3A_8, %mul3A_17 : i32
      %dma_start3A_19 = tpu.memref_slice %arg9[%mul3A_18] : memref<128xi32, #tpu.memory_space<vmem>> -> memref<32xi32, #tpu.memory_space<vmem>>
      %dma_start3A_20 = arith.constant 0 : i32
      %dma_start3A_21 = arith.constant 0 : i32
      %dma_start3A_22 = tpu.memref_slice %arg2[%dma_start3A_20, %dma_start3A_21] : memref<8192x1024xf32, #tpu.memory_space<hbm>> -> memref<8192x1024xf32, #tpu.memory_space<hbm>>
      tpu.enqueue_indirect_dma source(%dma_start3A_22 : memref<8192x1024xf32, #tpu.memory_space<hbm>>) target(%arg13 : memref<32x1024xf32, #tpu.memory_space<vmem>>) offsets(%dma_start3A_19 : memref<32xi32, #tpu.memory_space<vmem>>) semaphore(%arg15 : memref<!tpu.dma_semaphore, #tpu.memory_space<semaphore_mem>>)
      %dma_wait3A = tpu.memref_slice %arg8[%mul3A_13] : memref<128xi32, #tpu.memory_space<vmem>> -> memref<32xi32, #tpu.memory_space<vmem>>
      %dma_wait3A_23 = arith.constant 0 : i32
      %dma_wait3A_24 = arith.constant 0 : i32
      %dma_wait3A_25 = tpu.memref_slice %arg2[%dma_wait3A_23, %dma_wait3A_24] : memref<8192x1024xf32, #tpu.memory_space<hbm>> -> memref<8192x1024xf32, #tpu.memory_space<hbm>>
      tpu.wait_indirect_dma semaphore(%arg14 : memref<!tpu.dma_semaphore, #tpu.memory_space<semaphore_mem>>) src(%dma_wait3A_25 : memref<8192x1024xf32, #tpu.memory_space<hbm>>) dst(%arg12 : memref<32x1024xf32, #tpu.memory_space<vmem>>)
      %dma_wait3A_26 = tpu.memref_slice %arg9[%mul3A_18] : memref<128xi32, #tpu.memory_space<vmem>> -> memref<32xi32, #tpu.memory_space<vmem>>
      %dma_wait3A_27 = arith.constant 0 : i32
      %dma_wait3A_28 = arith.constant 0 : i32
      %dma_wait3A_29 = tpu.memref_slice %arg2[%dma_wait3A_27, %dma_wait3A_28] : memref<8192x1024xf32, #tpu.memory_space<hbm>> -> memref<8192x1024xf32, #tpu.memory_space<hbm>>
      tpu.wait_indirect_dma semaphore(%arg15 : memref<!tpu.dma_semaphore, #tpu.memory_space<semaphore_mem>>) src(%dma_wait3A_29 : memref<8192x1024xf32, #tpu.memory_space<hbm>>) dst(%arg13 : memref<32x1024xf32, #tpu.memory_space<vmem>>)
      %scan3A_30 = arith.constant 0 : i32
      %scan3A_31 = arith.constant 0 : i32
      %scan3A_32 = arith.constant 32 : i32
      %scan3A_33 = arith.addi %scan3A_31, %scan3A_32 : i32
      %scan3A_34 = arith.constant 1 : i32
      scf.for %scan3A_36 = %scan3A_31 to %scan3A_33 step %scan3A_34  : i32 {
        %mul3A_37 = arith.constant 32 : i32
        %mul3A_38 = arith.muli %scan3A_8, %mul3A_37 : i32
        %add3A_39 = arith.addi %mul3A_38, %scan3A_36 : i32
        %get3A = arith.index_cast %add3A_39 : i32 to index
        %get3A_40 = arith.constant 0 : index
        %get3A_41 = tpu.vector_load %arg10[%get3A, %get3A_40] {strides = array<i32>} : memref<128x16xf32, #tpu.memory_space<vmem>>, vector<1x16xf32>,
        %get3A_42 = vector.shape_cast %get3A_41 : vector<1x16xf32> to vector<16xf32>
        %mul3A_43 = arith.constant 32 : i32
        %mul3A_44 = arith.muli %scan3A_8, %mul3A_43 : i32
        %add3A_45 = arith.addi %mul3A_44, %scan3A_36 : i32
        %get3A_46 = arith.index_cast %add3A_45 : i32 to index
        %get3A_47 = arith.constant 0 : index
        %get3A_48 = tpu.vector_load %arg11[%get3A_46, %get3A_47] {strides = array<i32>} : memref<128x16xf32, #tpu.memory_space<vmem>>, vector<1x16xf32>,
        %get3A_49 = vector.shape_cast %get3A_48 : vector<1x16xf32> to vector<16xf32>
        %scan3A_50 = arith.constant 0 : i32
        %scan3A_51 = arith.constant 0 : i32
        %scan3A_52 = arith.constant 16 : i32
        %scan3A_53 = arith.addi %scan3A_51, %scan3A_52 : i32
        %scan3A_54 = arith.constant 1 : i32
        scf.for %scan3A_56 = %scan3A_51 to %scan3A_53 step %scan3A_54  : i32 {
          %mul3A_57 = arith.constant 4 : i32
          %mul3A_58 = arith.muli %scan3A_56, %mul3A_57 : i32
          %add3A_59 = arith.constant 0 : i32
          %add3A_60 = arith.addi %mul3A_58, %add3A_59 : i32
          %mul3A_61 = arith.constant 16 : i32
          %mul3A_62 = arith.muli %add3A_60, %mul3A_61 : i32
          %get3A_63 = arith.index_cast %scan3A_36 : i32 to index
          %get3A_64 = arith.index_cast %mul3A_62 : i32 to index
          %get3A_65 = tpu.vector_load %arg12[%get3A_63, %get3A_64] {strides = array<i32>} : memref<32x1024xf32, #tpu.memory_space<vmem>>, vector<1x16xf32>,
          %get3A_66 = vector.shape_cast %get3A_65 : vector<1x16xf32> to vector<16xf32>
          %get3A_67 = arith.index_cast %scan3A_36 : i32 to index
          %get3A_68 = arith.index_cast %mul3A_62 : i32 to index
          %get3A_69 = tpu.vector_load %arg13[%get3A_67, %get3A_68] {strides = array<i32>} : memref<32x1024xf32, #tpu.memory_space<vmem>>, vector<1x16xf32>,
          %get3A_70 = vector.shape_cast %get3A_69 : vector<1x16xf32> to vector<16xf32>
          %mul3A_71 = arith.mulf %get3A_66, %get3A_42 : vector<16xf32>
          %mul3A_72 = arith.mulf %get3A_70, %get3A_49 : vector<16xf32>
          %add3A_73 = arith.addf %mul3A_71, %mul3A_72 : vector<16xf32>
          %swap3A = arith.index_cast %scan3A_36 : i32 to index
          %swap3A_74 = arith.index_cast %mul3A_62 : i32 to index
          %swap3A_75 = tpu.vector_load %arg12[%swap3A, %swap3A_74] {strides = array<i32>} : memref<32x1024xf32, #tpu.memory_space<vmem>>, vector<1x16xf32>,
          %swap3A_76 = vector.shape_cast %swap3A_75 : vector<1x16xf32> to vector<16xf32>
          %swap3A_77 = vector.shape_cast %add3A_73 : vector<16xf32> to vector<1x16xf32>
          tpu.vector_store %arg12[%swap3A, %swap3A_74], %swap3A_77 {strides = array<i32>} : memref<32x1024xf32, #tpu.memory_space<vmem>>, vector<1x16xf32>,
          %mul3A_78 = arith.constant 4 : i32
          %mul3A_79 = arith.muli %scan3A_56, %mul3A_78 : i32
          %add3A_80 = arith.constant 1 : i32
          %add3A_81 = arith.addi %mul3A_79, %add3A_80 : i32
          %mul3A_82 = arith.constant 16 : i32
          %mul3A_83 = arith.muli %add3A_81, %mul3A_82 : i32
          %get3A_84 = arith.index_cast %scan3A_36 : i32 to index
          %get3A_85 = arith.index_cast %mul3A_83 : i32 to index
          %get3A_86 = tpu.vector_load %arg12[%get3A_84, %get3A_85] {strides = array<i32>} : memref<32x1024xf32, #tpu.memory_space<vmem>>, vector<1x16xf32>,
          %get3A_87 = vector.shape_cast %get3A_86 : vector<1x16xf32> to vector<16xf32>
          %get3A_88 = arith.index_cast %scan3A_36 : i32 to index
          %get3A_89 = arith.index_cast %mul3A_83 : i32 to index
          %get3A_90 = tpu.vector_load %arg13[%get3A_88, %get3A_89] {strides = array<i32>} : memref<32x1024xf32, #tpu.memory_space<vmem>>, vector<1x16xf32>,
          %get3A_91 = vector.shape_cast %get3A_90 : vector<1x16xf32> to vector<16xf32>
          %mul3A_92 = arith.mulf %get3A_87, %get3A_42 : vector<16xf32>
          %mul3A_93 = arith.mulf %get3A_91, %get3A_49 : vector<16xf32>
          %add3A_94 = arith.addf %mul3A_92, %mul3A_93 : vector<16xf32>
          %swap3A_95 = arith.index_cast %scan3A_36 : i32 to index
          %swap3A_96 = arith.index_cast %mul3A_83 : i32 to index
          %swap3A_97 = tpu.vector_load %arg12[%swap3A_95, %swap3A_96] {strides = array<i32>} : memref<32x1024xf32, #tpu.memory_space<vmem>>, vector<1x16xf32>,
          %swap3A_98 = vector.shape_cast %swap3A_97 : vector<1x16xf32> to vector<16xf32>
          %swap3A_99 = vector.shape_cast %add3A_94 : vector<16xf32> to vector<1x16xf32>
          tpu.vector_store %arg12[%swap3A_95, %swap3A_96], %swap3A_99 {strides = array<i32>} : memref<32x1024xf32, #tpu.memory_space<vmem>>, vector<1x16xf32>,
          %mul3A_100 = arith.constant 4 : i32
          %mul3A_101 = arith.muli %scan3A_56, %mul3A_100 : i32
          %add3A_102 = arith.constant 2 : i32
          %add3A_103 = arith.addi %mul3A_101, %add3A_102 : i32
          %mul3A_104 = arith.constant 16 : i32
          %mul3A_105 = arith.muli %add3A_103, %mul3A_104 : i32
          %get3A_106 = arith.index_cast %scan3A_36 : i32 to index
          %get3A_107 = arith.index_cast %mul3A_105 : i32 to index
          %get3A_108 = tpu.vector_load %arg12[%get3A_106, %get3A_107] {strides = array<i32>} : memref<32x1024xf32, #tpu.memory_space<vmem>>, vector<1x16xf32>,
          %get3A_109 = vector.shape_cast %get3A_108 : vector<1x16xf32> to vector<16xf32>
          %get3A_110 = arith.index_cast %scan3A_36 : i32 to index
          %get3A_111 = arith.index_cast %mul3A_105 : i32 to index
          %get3A_112 = tpu.vector_load %arg13[%get3A_110, %get3A_111] {strides = array<i32>} : memref<32x1024xf32, #tpu.memory_space<vmem>>, vector<1x16xf32>,
          %get3A_113 = vector.shape_cast %get3A_112 : vector<1x16xf32> to vector<16xf32>
          %mul3A_114 = arith.mulf %get3A_109, %get3A_42 : vector<16xf32>
          %mul3A_115 = arith.mulf %get3A_113, %get3A_49 : vector<16xf32>
          %add3A_116 = arith.addf %mul3A_114, %mul3A_115 : vector<16xf32>
          %swap3A_117 = arith.index_cast %scan3A_36 : i32 to index
          %swap3A_118 = arith.index_cast %mul3A_105 : i32 to index
          %swap3A_119 = tpu.vector_load %arg12[%swap3A_117, %swap3A_118] {strides = array<i32>} : memref<32x1024xf32, #tpu.memory_space<vmem>>, vector<1x16xf32>,
          %swap3A_120 = vector.shape_cast %swap3A_119 : vector<1x16xf32> to vector<16xf32>
          %swap3A_121 = vector.shape_cast %add3A_116 : vector<16xf32> to vector<1x16xf32>
          tpu.vector_store %arg12[%swap3A_117, %swap3A_118], %swap3A_121 {strides = array<i32>} : memref<32x1024xf32, #tpu.memory_space<vmem>>, vector<1x16xf32>,
          %mul3A_122 = arith.constant 4 : i32
          %mul3A_123 = arith.muli %scan3A_56, %mul3A_122 : i32
          %add3A_124 = arith.constant 3 : i32
          %add3A_125 = arith.addi %mul3A_123, %add3A_124 : i32
          %mul3A_126 = arith.constant 16 : i32
          %mul3A_127 = arith.muli %add3A_125, %mul3A_126 : i32
          %get3A_128 = arith.index_cast %scan3A_36 : i32 to index
          %get3A_129 = arith.index_cast %mul3A_127 : i32 to index
          %get3A_130 = tpu.vector_load %arg12[%get3A_128, %get3A_129] {strides = array<i32>} : memref<32x1024xf32, #tpu.memory_space<vmem>>, vector<1x16xf32>,
          %get3A_131 = vector.shape_cast %get3A_130 : vector<1x16xf32> to vector<16xf32>
          %get3A_132 = arith.index_cast %scan3A_36 : i32 to index
          %get3A_133 = arith.index_cast %mul3A_127 : i32 to index
          %get3A_134 = tpu.vector_load %arg13[%get3A_132, %get3A_133] {strides = array<i32>} : memref<32x1024xf32, #tpu.memory_space<vmem>>, vector<1x16xf32>,
          %get3A_135 = vector.shape_cast %get3A_134 : vector<1x16xf32> to vector<16xf32>
          %mul3A_136 = arith.mulf %get3A_131, %get3A_42 : vector<16xf32>
          %mul3A_137 = arith.mulf %get3A_135, %get3A_49 : vector<16xf32>
          %add3A_138 = arith.addf %mul3A_136, %mul3A_137 : vector<16xf32>
          %swap3A_139 = arith.index_cast %scan3A_36 : i32 to index
          %swap3A_140 = arith.index_cast %mul3A_127 : i32 to index
          %swap3A_141 = tpu.vector_load %arg12[%swap3A_139, %swap3A_140] {strides = array<i32>} : memref<32x1024xf32, #tpu.memory_space<vmem>>, vector<1x16xf32>,
          %swap3A_142 = vector.shape_cast %swap3A_141 : vector<1x16xf32> to vector<16xf32>
          %swap3A_143 = vector.shape_cast %add3A_138 : vector<16xf32> to vector<1x16xf32>
          tpu.vector_store %arg12[%swap3A_139, %swap3A_140], %swap3A_143 {strides = array<i32>} : memref<32x1024xf32, #tpu.memory_space<vmem>>, vector<1x16xf32>,
        }
        %scan3A_55 = arith.constant 16 : i32
      }
      %scan3A_35 = arith.constant 32 : i32
      "tpu.region"() ({
        %run_scoped3A = tpu.sem_alloc : memref<!tpu.dma_semaphore, #tpu.memory_space<semaphore_mem>>
        %dma_start3A_36 = arith.constant 0 : i32
        %dma_start3A_37 = tpu.memref_slice %arg7[%add3A_11, %dma_start3A_36] : memref<4096x1024xf32, #tpu.memory_space<hbm>> -> memref<32x1024xf32, #tpu.memory_space<hbm>>
        %dma_start3A_38 = arith.constant 0 : i32
        %dma_start3A_39 = tpu.memref_slice %arg7[%add3A_11, %dma_start3A_38] : memref<4096x1024xf32, #tpu.memory_space<hbm>> -> memref<32x1024xf32, #tpu.memory_space<hbm>>
        tpu.enqueue_dma source(%arg12 : memref<32x1024xf32, #tpu.memory_space<vmem>>) target(%dma_start3A_39 : memref<32x1024xf32, #tpu.memory_space<hbm>>) target_semaphore(%run_scoped3A : memref<!tpu.dma_semaphore, #tpu.memory_space<semaphore_mem>>)
        %dma_wait3A_40 = arith.constant 0 : i32
        %dma_wait3A_41 = tpu.memref_slice %arg7[%add3A_11, %dma_wait3A_40] : memref<4096x1024xf32, #tpu.memory_space<hbm>> -> memref<32x1024xf32, #tpu.memory_space<hbm>>
        %dma_wait3A_42 = arith.constant 0 : i32
        %dma_wait3A_43 = tpu.memref_slice %arg7[%add3A_11, %dma_wait3A_42] : memref<4096x1024xf32, #tpu.memory_space<hbm>> -> memref<32x1024xf32, #tpu.memory_space<hbm>>
        tpu.wait_dma2 semaphore(%run_scoped3A : memref<!tpu.dma_semaphore, #tpu.memory_space<semaphore_mem>>) src(%arg12 : memref<32x1024xf32, #tpu.memory_space<vmem>>) dst(%dma_wait3A_43 : memref<32x1024xf32, #tpu.memory_space<hbm>>)
        tpu.yield
      }) : () -> ()
    }
    %scan3A_7 = arith.constant 4 : i32
    return
  }
}

module attributes {stable_mosaic.version = 14 : i64} {
  func.func @body(%arg0: i32, %arg1: i32, %arg2: i32, %arg3: memref<512x1024xf32, #tpu.memory_space<vmem>>, %arg4: memref<1x1024x1024xbf16, #tpu.memory_space<vmem>>, %arg5: memref<1x1x4096xf32, #tpu.memory_space<vmem>>, %arg6: memref<1x1024x1024xbf16, #tpu.memory_space<vmem>>, %arg7: memref<1x1x1024xf32, #tpu.memory_space<vmem>>, %arg8: memref<512x1024xf32, #tpu.memory_space<vmem>>) attributes {dimension_semantics = [#tpu.dimension_semantics<parallel>, #tpu.dimension_semantics<parallel>, #tpu.dimension_semantics<arbitrary>], iteration_bounds = array<i64: 8, 2, 4>, scalar_prefetch = 0 : i64, scratch_operands = 0 : i64, tpu.core_type = #tpu.core_type<tc>, window_params = [{transform_indices = @transform_0, window_bounds = array<i64: 512, 1024>}, {transform_indices = @transform_1, window_bounds = array<i64: 1, 1024, 1024>}, {transform_indices = @transform_2, window_bounds = array<i64: 1, 1, 4096>}, {transform_indices = @transform_3, window_bounds = array<i64: 1, 1024, 1024>}, {transform_indices = @transform_4, window_bounds = array<i64: 1, 1, 1024>}, {transform_indices = @transform_5, window_bounds = array<i64: 512, 1024>}]} {
    %get3A = arith.constant 0 : index
    %get3A_0 = arith.constant 0 : index
    %get3A_1 = vector.load %arg3[%get3A, %get3A_0] : memref<512x1024xf32, #tpu.memory_space<vmem>>, vector<512x1024xf32>
    %convert_element_type3A = arith.truncf %get3A_1 : vector<512x1024xf32> to vector<512x1024xbf16>
    %mul3A = arith.constant 1024 : i32
    %mul3A_2 = arith.muli %arg2, %mul3A : i32
    %get3A_3 = arith.constant 0 : index
    %get3A_4 = arith.constant 0 : index
    %get3A_5 = arith.index_cast %mul3A_2 : i32 to index
    %get3A_6 = vector.load %arg5[%get3A_3, %get3A_4, %get3A_5] : memref<1x1x4096xf32, #tpu.memory_space<vmem>>, vector<1x1x1024xf32>
    %get3A_7 = vector.shape_cast %get3A_6 : vector<1x1x1024xf32> to vector<1x1024xf32>
    %get3A_8 = arith.constant 0 : index
    %get3A_9 = arith.constant 0 : index
    %get3A_10 = arith.constant 0 : index
    %get3A_11 = vector.load %arg4[%get3A_8, %get3A_9, %get3A_10] : memref<1x1024x1024xbf16, #tpu.memory_space<vmem>>, vector<1x1024x1024xbf16>
    %get3A_12 = vector.shape_cast %get3A_11 : vector<1x1024x1024xbf16> to vector<1024x1024xbf16>
    %dot_general3A = arith.constant dense<0.000000e+00> : vector<512x1024xf32>
    %dot_general3A_13 = tpu.matmul %convert_element_type3A, %get3A_12, %dot_general3A {dimension_numbers = #tpu.dot_dimension_numbers<[1], [0], [0], [1], [0, 0, 1, 1], [], []>, transpose_lhs_hint = false} : vector<512x1024xbf16>, vector<1024x1024xbf16>, vector<512x1024xf32> -> vector<512x1024xf32>
    %add3A = vector.broadcast %get3A_7 : vector<1x1024xf32> to vector<512x1024xf32>
    %add3A_14 = arith.addf %dot_general3A_13, %add3A : vector<512x1024xf32>
    %min3A = arith.constant 7.000000e+00 : f32
    %min3A_15 = vector.broadcast %min3A : f32 to vector<512x1024xf32>
    %min3A_16 = arith.minimumf %add3A_14, %min3A_15 : vector<512x1024xf32>
    %mul3A_17 = arith.constant 1.702000e+00 : f32
    %mul3A_18 = vector.broadcast %mul3A_17 : f32 to vector<512x1024xf32>
    %mul3A_19 = arith.mulf %min3A_16, %mul3A_18 : vector<512x1024xf32>
    %logistic3A = arith.negf %mul3A_19 : vector<512x1024xf32>
    %logistic3A_20 = math.exp %logistic3A : vector<512x1024xf32>
    %logistic3A_21 = arith.constant 1.000000e+00 : f32
    %logistic3A_22 = vector.broadcast %logistic3A_21 : f32 to vector<512x1024xf32>
    %logistic3A_23 = arith.addf %logistic3A_22, %logistic3A_20 : vector<512x1024xf32>
    %logistic3A_24 = arith.divf %logistic3A_22, %logistic3A_23 : vector<512x1024xf32>
    %mul3A_25 = arith.mulf %min3A_16, %logistic3A_24 : vector<512x1024xf32>
    %jit3A = arith.constant -7.000000e+00 : f32
    %jit3A_26 = arith.constant 7.000000e+00 : f32
    %max3A = vector.broadcast %jit3A : f32 to vector<512x1024xf32>
    %max3A_27 = arith.maximumf %max3A, %add3A_14 : vector<512x1024xf32>
    %min3A_28 = vector.broadcast %jit3A_26 : f32 to vector<512x1024xf32>
    %min3A_29 = arith.minimumf %min3A_28, %max3A_27 : vector<512x1024xf32>
    %add3A_30 = arith.constant 1.000000e+00 : f32
    %add3A_31 = vector.broadcast %add3A_30 : f32 to vector<512x1024xf32>
    %add3A_32 = arith.addf %min3A_29, %add3A_31 : vector<512x1024xf32>
    %slice3A = vector.extract_strided_slice %mul3A_25 {offsets = [0, 1023], sizes = [512, 1], strides = [1, 1]} : vector<512x1024xf32> to vector<512x1xf32>
    %slice3A_33 = vector.extract_strided_slice %mul3A_25 {offsets = [0, 0], sizes = [512, 1023], strides = [1, 1]} : vector<512x1024xf32> to vector<512x1023xf32>
    %concatenate3A = tpu.concatenate %slice3A, %slice3A_33 in 1 : vector<512x1xf32>, vector<512x1023xf32> -> vector<512x1024xf32>
    %iota3A = tpu.iota {dimensions = array<i32: 1>} : vector<512x1024xi32>
    %jit3A_34 = arith.constant 2 : i32
    %eq3A = arith.constant 0 : i32
    %eq3A_35 = arith.cmpi eq, %jit3A_34, %eq3A : i32
    %jit3A_36 = arith.constant 1 : i32
    %select_n3A = arith.select %eq3A_35, %jit3A_36, %jit3A_34 : i32
    %rem3A = vector.broadcast %select_n3A : i32 to vector<512x1024xi32>
    %rem3A_37 = arith.remsi %iota3A, %rem3A : vector<512x1024xi32>
    %ne3A = arith.constant 0 : i32
    %ne3A_38 = vector.broadcast %ne3A : i32 to vector<512x1024xi32>
    %ne3A_39 = arith.cmpi ne, %rem3A_37, %ne3A_38 : vector<512x1024xi32>
    %lt3A = arith.constant 0 : i32
    %lt3A_40 = vector.broadcast %lt3A : i32 to vector<512x1024xi32>
    %lt3A_41 = arith.cmpi slt, %rem3A_37, %lt3A_40 : vector<512x1024xi32>
    %lt3A_42 = arith.constant 0 : i32
    %lt3A_43 = arith.cmpi slt, %select_n3A, %lt3A_42 : i32
    %ne3A_44 = vector.broadcast %lt3A_43 : i1 to vector<512x1024xi1>
    %ne3A_45 = vector.broadcast %ne3A_44 : vector<512x1024xi1> to vector<512x1024xi1>
    %ne3A_46 = arith.xori %lt3A_41, %ne3A_45 : vector<512x1024xi1>
    %and3A = arith.andi %ne3A_46, %ne3A_39 : vector<512x1024xi1>
    %add3A_47 = vector.broadcast %select_n3A : i32 to vector<512x1024xi32>
    %add3A_48 = arith.addi %rem3A_37, %add3A_47 : vector<512x1024xi32>
    %select_n3A_49 = arith.select %and3A, %add3A_48, %rem3A_37 : vector<512x1024xi1>, vector<512x1024xi32>
    %eq3A_50 = arith.constant 1 : i32
    %eq3A_51 = vector.broadcast %eq3A_50 : i32 to vector<512x1024xi32>
    %eq3A_52 = arith.cmpi eq, %select_n3A_49, %eq3A_51 : vector<512x1024xi32>
    %mul3A_53 = arith.mulf %add3A_32, %concatenate3A : vector<512x1024xf32>
    %jit3A_54 = arith.constant 0.000000e+00 : f32
    %broadcast_in_dim3A = vector.broadcast %jit3A_54 : f32 to vector<512x1024xf32>
    %select_n3A_55 = arith.select %eq3A_52, %mul3A_53, %broadcast_in_dim3A : vector<512x1024xi1>, vector<512x1024xf32>
    %convert_element_type3A_56 = arith.truncf %select_n3A_55 : vector<512x1024xf32> to vector<512x1024xbf16>
    %get3A_57 = arith.constant 0 : index
    %get3A_58 = arith.constant 0 : index
    %get3A_59 = arith.constant 0 : index
    %get3A_60 = vector.load %arg6[%get3A_57, %get3A_58, %get3A_59] : memref<1x1024x1024xbf16, #tpu.memory_space<vmem>>, vector<1x1024x1024xbf16>
    %get3A_61 = vector.shape_cast %get3A_60 : vector<1x1024x1024xbf16> to vector<1024x1024xbf16>
    %dot_general3A_62 = arith.constant dense<0.000000e+00> : vector<512x1024xf32>
    %dot_general3A_63 = tpu.matmul %convert_element_type3A_56, %get3A_61, %dot_general3A_62 {dimension_numbers = #tpu.dot_dimension_numbers<[1], [0], [0], [1], [0, 0, 1, 1], [], []>, transpose_lhs_hint = false} : vector<512x1024xbf16>, vector<1024x1024xbf16>, vector<512x1024xf32> -> vector<512x1024xf32>
    %eq3A_64 = arith.constant 0 : i32
    %eq3A_65 = arith.cmpi eq, %arg2, %eq3A_64 : i32
    %convert_element_type3A_66 = arith.extui %eq3A_65 : i1 to i32
    %cond3A = arith.constant 0 : i32
    %cond3A_67 = arith.cmpi ne, %convert_element_type3A_66, %cond3A : i32
    scf.if %cond3A_67 {
      %get3A_73 = arith.constant 0 : index
      %get3A_74 = arith.constant 0 : index
      %get3A_75 = arith.constant 0 : index
      %get3A_76 = vector.load %arg7[%get3A_73, %get3A_74, %get3A_75] : memref<1x1x1024xf32, #tpu.memory_space<vmem>>, vector<1x1x1024xf32>
      %get3A_77 = vector.shape_cast %get3A_76 : vector<1x1x1024xf32> to vector<1x1024xf32>
      %add3A_78 = vector.broadcast %get3A_77 : vector<1x1024xf32> to vector<512x1024xf32>
      %add3A_79 = arith.addf %dot_general3A_63, %add3A_78 : vector<512x1024xf32>
      %swap3A = arith.constant 0 : index
      %swap3A_80 = arith.constant 0 : index
      %swap3A_81 = vector.load %arg8[%swap3A, %swap3A_80] : memref<512x1024xf32, #tpu.memory_space<vmem>>, vector<512x1024xf32>
      tpu.vector_store %arg8[%swap3A, %swap3A_80], %add3A_79 {strides = array<i32>} : memref<512x1024xf32, #tpu.memory_space<vmem>>, vector<512x1024xf32>,
    } else {
    }
    %ne3A_68 = arith.constant 0 : i32
    %ne3A_69 = arith.cmpi ne, %arg2, %ne3A_68 : i32
    %convert_element_type3A_70 = arith.extui %ne3A_69 : i1 to i32
    %cond3A_71 = arith.constant 0 : i32
    %cond3A_72 = arith.cmpi ne, %convert_element_type3A_70, %cond3A_71 : i32
    scf.if %cond3A_72 {
      %get3A_73 = arith.constant 0 : index
      %get3A_74 = arith.constant 0 : index
      %get3A_75 = vector.load %arg8[%get3A_73, %get3A_74] : memref<512x1024xf32, #tpu.memory_space<vmem>>, vector<512x1024xf32>
      %add3A_76 = arith.addf %get3A_75, %dot_general3A_63 : vector<512x1024xf32>
      %swap3A = arith.constant 0 : index
      %swap3A_77 = arith.constant 0 : index
      %swap3A_78 = vector.load %arg8[%swap3A, %swap3A_77] : memref<512x1024xf32, #tpu.memory_space<vmem>>, vector<512x1024xf32>
      tpu.vector_store %arg8[%swap3A, %swap3A_77], %add3A_76 {strides = array<i32>} : memref<512x1024xf32, #tpu.memory_space<vmem>>, vector<512x1024xf32>,
    } else {
    }
    return
  }
  func.func @transform_0(%arg0: i32, %arg1: i32, %arg2: i32) -> (i32, i32) {
    %mul3A = arith.constant 2 : i32
    %mul3A_0 = arith.muli %arg0, %mul3A : i32
    %add3A = arith.addi %mul3A_0, %arg1 : i32
    %c0_i32 = arith.constant 0 : i32
    %c0_i32_1 = arith.constant 0 : i32
    return %add3A, %c0_i32 : i32, i32
  }
  func.func @transform_1(%arg0: i32, %arg1: i32, %arg2: i32) -> (i32, i32, i32) {
    %c0_i32 = arith.constant 0 : i32
    %c0_i32_0 = arith.constant 0 : i32
    return %arg0, %c0_i32, %arg2 : i32, i32, i32
  }
  func.func @transform_2(%arg0: i32, %arg1: i32, %arg2: i32) -> (i32, i32, i32) {
    %c0_i32 = arith.constant 0 : i32
    %c0_i32_0 = arith.constant 0 : i32
    %c0_i32_1 = arith.constant 0 : i32
    return %arg0, %c0_i32, %c0_i32_0 : i32, i32, i32
  }
  func.func @transform_3(%arg0: i32, %arg1: i32, %arg2: i32) -> (i32, i32, i32) {
    %c0_i32 = arith.constant 0 : i32
    %c0_i32_0 = arith.constant 0 : i32
    return %arg0, %arg2, %c0_i32 : i32, i32, i32
  }
  func.func @transform_4(%arg0: i32, %arg1: i32, %arg2: i32) -> (i32, i32, i32) {
    %c0_i32 = arith.constant 0 : i32
    %c0_i32_0 = arith.constant 0 : i32
    %c0_i32_1 = arith.constant 0 : i32
    return %arg0, %c0_i32, %c0_i32_0 : i32, i32, i32
  }
  func.func @transform_5(%arg0: i32, %arg1: i32, %arg2: i32) -> (i32, i32) {
    %mul3A = arith.constant 2 : i32
    %mul3A_0 = arith.muli %arg0, %mul3A : i32
    %add3A = arith.addi %mul3A_0, %arg1 : i32
    %c0_i32 = arith.constant 0 : i32
    %c0_i32_1 = arith.constant 0 : i32
    return %add3A, %c0_i32 : i32, i32
  }
}

</mosaic_0001>

<sc_bundles>
// kernel: gather_offload_async_start
scs
__scs_entry_jumppad:
0x0: {  	(pc) =	sbr.rel $0x88, $3  }
0x1: {  	(tag) =	ssettag $0x0;
	lr =	simm.s32 $0x1  }
0x2: {  	[smem:$0x3F9A] =	sst lr;
	_ =	strace $0xD0000000  }
0x3: {  	_ = 	snop  }
0x4: {  	_ = 	snop  }
0x5: {  	_ = 	snop  }
0x6: {  	_ = 	snop  }
0x7: {  	_ = 	snop  }
__scs_overlays_trampoline_lowered:
0x8: {  	[smem:$0x3FA9] =	sst s0  }
0x9: {  	[smem:$0x3FAA] =	sst s1  }
0xa: {  	[smem:$0x3FAB] =	sst s2  }
0xb: {  	[smem:$0x3FAC] =	sst s3  }
0xc: {  	[smem:$0x3FAD] =	sst s4  }
0xd: {  	[smem:$0x3FAE] =	sst s5  }
0xe: {  	[smem:$0x3FAF] =	sst s6  }
0xf: {  	[smem:$0x3FB0] =	sst s7  }
0x10: {  	[smem:$0x3FB1] =	sst s8  }
0x11: {  	[smem:$0x3FB2] =	sst s9;
	s0 =	simm.s32 @!p0 $0x0  }
0x12: {  	s1 =	sld [smem:$0x3F98];
	s0 =	simm.s32 @p0 $0x1  }
0x13: {  	[smem:$0x3FB3] =	sst s0;
	s0 =	simm.s32 @!p1 $0x0  }
0x14: {  	s2 =	sld [smem:$0x3F97];
	s0 =	simm.s32 @p1 $0x1  }
0x15: {  	[smem:$0x3FB4] =	sst s0;
	s0 =	simm.s32 @!p2 $0x0  }
0x16: {  	s3 =	sld [smem:$0x3FDB];
	s0 =	simm.s32 @p2 $0x1  }
0x17: {  	s4 =	simm.s32 $0x1BF5;
	[smem:$0x3FB6] =	sst s0  }
0x18: {  	s0 =	sld [smem:$0x3F99];
	_ =	swait.ge [sflag:s4], $0x0  }
0x19: {  	s7 =	sld [smem:$0x3F9A]  }
0x1a: {  	s8 =	sadd.s32 $0xFFFFE003, lr  }
0x1b: {  	s9 =	sadd.s32 $0xFFFFFEF7, lr;
	s5 =	simm.s32 $0xFFFFFFFF;
	p2 =	slt.u32 s8, $0xFFFFF086  }
0x1c: {  	p1 =	slt.u32 s9, $0xF7A;
	s5 =	simm.s32 @!p2 $0x0  }
0x1d: {  	s5 =	simm.s32 @p1 $0x1;
	p0 =	seq.s32 s7, s2  }
0x1e: {  	s7 =	smul.u32 @!p0 $0xF7A, s2;
	p2 =	seq.s32 @!p0 s5, $0x0  }
0x1f: {  	s9 =	smul.u32 $0xF7A, s1;
	s8 =	simm.s32 @!p0 $0x1BF5;
	p2 =	por !p2, p0  }
0x20: {  	[sflag:s8] =	ssyncset.s32 @!p0 $0xFFFFF086;
	s6 =	sadd.s32 @!p0 s3, s7;
	s7 =	simm.s32 @!p0 $0x108  }
0x21: {  	s3 =	sadd.s32 s3, s9;
	s6 =	sadd.s32 @!p0 $0x88, s6;
	s7 =	simm.s32 @p2 $0x1082  }
0x22: {  	[simem:s7], [sflag:s8] =	dma.local @!p0 [hbm:s6], $0xF7A  }
0x23: {  	s9 =	sor.u32 $0xD0000000, s2;
	s6 =	simm.s32 $0x108;
	_ =	swait.ge @!p0 [sflag:s8], $0x0  }
0x24: {  	s3 =	sadd.s32 $0x88, s3;
	s6 =	simm.s32 @!p1 $0x1082;
	[sflag:s4] =	ssyncset.s32 $0xFFFFF086  }
0x25: {  	[simem:s6], [sflag:s4] =	dma.local [hbm:s3], $0xF7A  }
0x26: {  	[smem:$0x3F9A] =	sst s1;
	(tag) =	ssettag s2;
	_ =	strace s9  }
0x27: {  	s1 =	sld [smem:$0x3FAA]  }
0x28: {  	s2 =	sld [smem:$0x3FAB]  }
0x29: {  	s4 =	sld [smem:$0x3FAD]  }
0x2a: {  	p0 =	seq.s32 s5, $0x0;
	s5 =	sld [smem:$0x3FAE]  }
0x2b: {  	s6 =	sld [smem:$0x3FAF]  }
0x2c: {  	s7 =	sld [smem:$0x3FB0]  }
0x2d: {  	s3 =	simm.s32 $0x108;
	s8 =	sld [smem:$0x3FB1]  }
0x2e: {  	s3 =	simm.s32 @!p0 $0x1082;
	s9 =	sld [smem:$0x3FB2]  }
0x2f: {  	lr =	sadd.s32 s0, s3;
	s0 =	sld [smem:$0x3FA9]  }
0x30: {  	s3 =	sld [smem:$0x3FAC]  }
0x31: {  	[smem:$0x3FB5] =	sst s10  }
0x32: {  	s10 =	sld [smem:$0x3FB3];
	_ =	sdelay $0x3  }
0x33: {  	p0 =	seq.s32 s10, $0x1;
	s10 =	sld [smem:$0x3FB5];
	_ =	sdelay $0x3  }
0x34: {  	[smem:$0x3FB5] =	sst s10  }
0x35: {  	s10 =	sld [smem:$0x3FB4];
	_ =	sdelay $0x3  }
0x36: {  	p1 =	seq.s32 s10, $0x1;
	s10 =	sld [smem:$0x3FB5];
	_ =	sdelay $0x3  }
0x37: {  	[smem:$0x3FB5] =	sst s10  }
0x38: {  	s10 =	sld [smem:$0x3FB6]  }
0x39: {  	_ = 	snop;
	(pc) =	sbr.ind lr, $3  }
0x3a: {  	_ = 	snop  }
0x3b: {  	_ = 	snop  }
0x3c: {  	p2 =	seq.s32 s10, $0x1;
	s10 =	sld [smem:$0x3FB5]  }
0x3d: {  	_ =	shalt  }
0x3e: {  	_ =	shalt  }
0x3f: {  	_ =	shalt  }
0x40: {  	_ =	shalt  }
0x41: {  	_ =	shalt  }
0x42: {  	_ =	shalt  }
0x43: {  	_ =	shalt  }
0x44: {  	_ =	shalt  }
0x45: {  	_ =	shalt  }
0x46: {  	_ =	shalt  }
0x47: {  	_ =	shalt  }
0x48: {  	_ =	shalt  }
0x49: {  	_ =	shalt  }
0x4a: {  	_ =	shalt  }
0x4b: {  	_ =	shalt  }
0x4c: {  	_ =	shalt  }
0x4d: {  	_ =	shalt  }
0x4e: {  	_ =	shalt  }
0x4f: {  	_ =	shalt  }
0x50: {  	_ =	shalt  }
0x51: {  	_ =	shalt  }
0x52: {  	_ =	shalt  }
0x53: {  	_ =	shalt  }
0x54: {  	_ =	shalt  }
0x55: {  	_ =	shalt  }
0x56: {  	_ =	shalt  }
0x57: {  	_ =	shalt  }
0x58: {  	_ =	shalt  }
0x59: {  	_ =	shalt  }
0x5a: {  	_ =	shalt  }
0x5b: {  	_ =	shalt  }
0x5c: {  	_ =	shalt  }
0x5d: {  	_ =	shalt  }
0x5e: {  	_ =	shalt  }
0x5f: {  	_ =	shalt  }
0x60: {  	_ =	shalt  }
0x61: {  	_ =	shalt  }
0x62: {  	_ =	shalt  }
0x63: {  	_ =	shalt  }
0x64: {  	_ =	shalt  }
0x65: {  	_ =	shalt  }
0x66: {  	_ =	shalt  }
0x67: {  	_ =	shalt  }
0x68: {  	_ =	shalt  }
0x69: {  	_ =	shalt  }
0x6a: {  	_ =	shalt  }
0x6b: {  	_ =	shalt  }
0x6c: {  	_ =	shalt  }
0x6d: {  	_ =	shalt  }
0x6e: {  	_ =	shalt  }
0x6f: {  	_ =	shalt  }
0x70: {  	_ =	shalt  }
0x71: {  	_ =	shalt  }
0x72: {  	_ =	shalt  }
0x73: {  	_ =	shalt  }
0x74: {  	_ =	shalt  }
0x75: {  	_ =	shalt  }
0x76: {  	_ =	shalt  }
0x77: {  	_ =	shalt  }
0x78: {  	_ =	shalt  }
0x79: {  	_ =	shalt  }
0x7a: {  	_ =	shalt  }
0x7b: {  	_ =	shalt  }
0x7c: {  	_ =	shalt  }
0x7d: {  	_ =	shalt  }
0x7e: {  	_ =	shalt  }
0x7f: {  	_ =	shalt  }
0x80: {  	_ =	shalt  }
0x81: {  	_ =	shalt  }
0x82: {  	_ =	shalt  }
0x83: {  	_ =	shalt  }
0x84: {  	_ =	shalt  }
0x85: {  	_ =	shalt  }
0x86: {  	_ =	shalt  }
0x87: {  	_ =	shalt  }
.Lfunc_end0:
.L_simem_size_0:
called_computation_lowered:
.L_overlay_start_0:
0x88: {  	s2 =	sld [smem:$0x3FD9]  }
0x89: {  	s3 =	sld [smem:$0x3FFE];
	_ =	sdelay $0x1  }
0x8a: {  	s1 =	srdreg.scid  }
0x8b: {  	s0 =	sand.u32 $0x1, s1  }
0x8c: {  	s16 =	sshll.u32 s0, $0xA;
	s2 =	sadd.s32 s3, s2  }
0x8d: {  	s2 =	sadd.s32 s2, s16  }
0x8e: {  	[smem:$0x3FC1] =	sst s2  }
0x8f: {  	_ = 	snop  }
0x90: {  	(tm) =	ssettm $0x1  }
0x91: {  	s17 =	sld [smem:$0x3FFB];
	_ =	sdelay $0x3  }
0x92: {  	_ =	strace s17  }
0x93: {  	s2 =	sld [smem:$0x3FFC];
	_ =	sdelay $0x3  }
0x94: {  	_ =	strace s2  }
0x95: {  	s2 =	sld [smem:$0x3FFD];
	_ =	sdelay $0x3  }
0x96: {  	_ =	strace s2  }
0x97: {  	_ =	strace $0x8FFFFFFF  }
0x98: {  	s18 =	sld [smem:$0x3FDB];
	_ =	sdelay $0x1  }
0x99: {  	s19 =	simm.s32 $_scs_section_size  }
0x9a: {  	s4 =	simm.s32 $_size__tile_overlayer_lowered;
	s5 =	simm.s32 $_tile_overlayer_lowered  }
0x9b: {  	s22 =	simm.s32 $0x1BFF;
	s21 =	sshll.u32 s5, $0x1;
	s2 =	sadd.s32 s19, s18  }
0x9c: {  	s6 =	simm.s32 $0x0;
	s20 =	sshll.u32 s4, $0x1;
	s4 =	sadd.s32 s21, s2  }
0x9d: {  	[timem:s6], [sflag:s22] =	dma.local [hbm:s4], s20  }
0x9e: {  	_ =	swait.ge [sflag:s22], s20  }
0x9f: {  	s3 =	ssub.s32 $0x0, s20;
	[sflag:s22] =	ssyncset.done $0x0  }
0xa0: {  	[sflag:s22] =	ssyncadd.s32 s3;
	_ =	sdelay $0x1  }
0xa1: {  	s23 =	simm.s32 $0x1B8B  }
0xa2: {  	_ =	swait.ge [sflag:s23], $0x1  }
0xa3: {  	[sflag:s23] =	ssyncset.done $0x0  }
0xa4: {  	s25 =	simm.s32 $0x1B8E;
	s24 =	sld [smem:$0x3FFE];
	[sflag:s23] =	ssyncadd.s32 $0xFFFFFFFF  }
0xa5: {  	s26 =	simm.s32 $execute0_lowered;
	[smem:$0x3FD2] =	sst s25  }
0xa6: {  	s4 =	sshll.u32 s26, $0x1;
	_ =	strace $0x80000046;
	[dreg:$0x1] =	wrdreg $0xFFFFFFFF  }
0xa7: {  	s28 =	simm.s32 $_size_execute0_lowered;
	s2 =	sadd.s32 s2, s4;
	[dreg:$0x0] =	wrdreg $0x0  }
0xa8: {  	s4 =	sshll.u32 s28, $0x1;
	[dreg:$0x2] =	wrdreg s2  }
0xa9: {  	[dreg:$0x3] =	wrdreg s4  }
0xaa: {  	[dreg:$0x4] =	wrdreg $0xC0  }
0xab: {  	_ =	task [dreg:s6], $0x5FFFF  }
0xac: {  	[dreg:$0x1] =	wrdreg $0xFFFFFFFF  }
0xad: {  	[dreg:$0x0] =	wrdreg $0x60  }
0xae: {  	[dreg:$0x2] =	wrdreg s24  }
0xaf: {  	[dreg:$0x3] =	wrdreg $0x9  }
0xb0: {  	_ =	task.clear_ibuf [dreg:s6], $0x4FFFF;
	_ =	strace $0x90000046  }
0xb1: {  	s29 =	simm.s32 $0x9;
	_ =	strace $0x80000048  }
0xb2: {  	_ =	swait.ge [sflag:s29], $0x1  }
0xb3: {  	[sflag:s29] =	ssyncadd.s32 $0xFFFFFFFF  }
0xb4: {  	_ =	strace $0x90000048  }
0xb5: {  	_ =	sfence  }
0xb6: {  	s30 =	sld [smem:$0x0];
	_ =	sdelay $0x2  }
0xb7: {  	s31 =	sshll.u32 s1, $0xD;
	s1 =	sshrl.u32 s1, $0x2  }
0xb8: {  	s3 =	sand.u32 $0x4000, s31;
	s1 =	sadd.s32 s1, s30  }
0xb9: {  	s0 =	sor.u32 s3, s0;
	s1 =	sshll.u32 s1, $0x11  }
0xba: {  	s0 =	sor.u32 s1, s0  }
0xbb: {  	s0 =	sadd.s32 $0x8F2B, s0  }
0xbc: {  	[sflag:s0] =	ssyncadd.remote.s32 $0x1  }
0xbd: {  	_ =	sfence.sel $0xFFFF  }
0xbe: {  	[dreg:$0x0] =	wrdreg $0xFFFFFFFF;
	(pc) =	sbr.abs _section_cstart, $3  }
0xbf: {  	[dreg:$0x1] =	wrdreg $0xFFFFFFFF  }
0xc0: {  	_ =	task.clear_ibuf [dreg:s6], $0x2FFFF;
	_ =	strace $0x9FFFFFFF  }
0xc1: {  	(tm) =	ssettm $0x7FFFFFFF  }
tec
execute0_lowered:
.L_overlay_start_1:
0x0: {  	(tag) =	ssettag $0x1  }
0x1: {  	s1 =	srdreg.scid  }
0x2: {  	s0 =	stileid.u32;
	s2 =	rddreg [dreg:$0x0];
	s6 =	simm.s32 $0x1  }
0x3: {  	s9 =	simm.s32 $0x1;
	s10 =	simm.s32 $0x3;
	s1 =	sshll.u32 s1, $0x7  }
0x4: {  	s13 =	simm.s32 $0x0;
	s3 =	sshll.u32 s0, $0x8;
	s4 =	sand.u32 $0x80, s1  }
0x5: {  	s12 =	simm.s32 $0x0;
	s5 =	sadd.s32 $0x2400, s2;
	s3 =	sor.u32 s3, s4  }
0x6: {  	s1 =	rddreg [dreg:$0x1];
	_ =	strace $0x80000047;
	s8 =	ssub.s32 $0x2000, s3  }
.Ltmp0:
0x7: {  	s4 =	sadd.s32 $0x400, s2;
	s7 =	sand.u32 $0xF80, s8;
	(pc) =	sbr.rel .LBB2_1-.Ltmp0, $4  }
0x8: {  	[sflag:s6] =	ssyncpa.u1 $0x0;
	s11 =	smov.u32 s3;
	p0 =	sne.s32 s7, $0x0  }
0x9: {  	s8 =	sshrl.u32 s8, $0xC;
	s7 =	simm.s32 $0x2;
	s9 =	simm.s32 @!p0 $0x0  }
0xa: {  	[sflag:s7] =	ssyncpa.u1 $0x0;
	p0 =	por $0x0, $0x0;
	s8 =	sadd.s32 s9, s8  }
0xb: {  	vm0 =	vmmov $0xffff;
	[sflag:s10] =	ssyncpa.u1 $0x0;
	s10 =	simm.s32 $0x0;
	s9 =	sadd.s32 $0x1, s8  }
.LBB2_4:
0xc: {  	v1 =	vsel vm1, $0xFFFFFFFF, v1;
	v2 =	vand.u32 $0x7, v2  }
0xd: {  	v2 =	vsel vm1, $0xFFFFFFFF, v2;
	v3 =	vshll.u32 v1, $0x3  }
0xe: {  	v4 =	vand.u32 $0xFFFF0000, v2;
	v3 =	vand.u32 $0xFFFFFC00, v3;
	v2 =	vshll.u32 v2, $0x7  }
0xf: {  	v3 =	vadd.s32 v3, v4;
	v2 =	vand.u32 $0x380, v2  }
0x10: {  	v1 =	vand.u32 $0x7F, v1;
	v2 =	vor.u32 v2, v3  }
0x11: {  	v1 =	vor.u32 v1, v2;
	_ =	sdelay $0x1  }
0x12: {  	(ifvalue) =	ssetifvalue $0x7FFFFFFF;
	s15 =	sadd.s32 $0x10, s15  }
0x13: {  	[tilespmem:s15], [sflag:$0x1] =	stream.indirect_vreg.gather [hbm4b:s4+s10], $0x1, v0, vm0, $0x4038;
	[tilespmem:$0x200] =	vst v63  }
0x14: {  	(ifvalue) =	ssetifvalue $0x7FFFFFFF;
	s15 =	sadd.s32 $0x10, s15  }
0x15: {  	[tilespmem:s15], [sflag:$0x1] =	stream.indirect_vreg.gather [hbm4b:s4+s10], $0x1, v1, vm0, $0x4038;
	[tilespmem:$0x200] =	vst v63  }
0x16: {  	_ =	swait.ge [sflag:s6], $0x80  }
0x17: {  	s30 =	sshrl.u32 s13, $0x3;
	[sflag:s6] =	ssyncset.done $0x0  }
0x18: {  	s31 =	sand.u32 $0x7, s13;
	s15 =	sadd.s32 s5, s30;
	[sflag:s6] =	ssyncadd.s32 $0xFFFFFF80  }
0x19: {  	[hbm4b:s15+s31] =	stream.linear.scatter [tilespmem:s14], [sflag:$0x3], $0x80, $0x38;
	[tilespmem:$0x200] =	vst v63  }
.LBB2_5:
0x1a: {  	s15 =	sadd.s32 $0x1000, s11  }
0x1b: {  	p2 =	sgt.s32 s15, $0x1FFF  }
0x1c: {  	s15 =	smov.u32 @p2 s3;
	p2 =	sne.s32 s12, s9  }
.Ltmp1:
0x1d: {  	p1 =	slt.u32 s12, $0x2;
	(pc) =	sbr.rel @!p2 .LBB2_6-.Ltmp1, $4  }
0x1e: {  	s14 =	simm.s32 @!p1 $0x3  }
0x1f: {  	s16 =	sadd.s32 $0x1, s12;
	_ =	swait.ge @!p1 [sflag:s14], $0x80  }
0x20: {  	s13 =	smov.u32 s11;
	p0 =	por !p0, !p0;
	[sflag:s14] =	ssyncset.done @!p1 $0x0  }
0x21: {  	s12 =	smov.u32 s16;
	s11 =	smov.u32 s15;
	[sflag:s14] =	ssyncadd.s32 @!p1 $0xFFFFFF80  }
.LBB2_1:
0x22: {  	p1 =	sge.u32 s12, s8  }
0x23: {  	s14 =	sxor.u32 @!p1 $0xFFFFFFFF, s12  }
0x24: {  	s31 =	sadd.s32 $0xFFFFFFFF, s12;
	s15 =	sshrl.u32 @!p1 s11, $0x3;
	s14 =	sshll.u32 @!p1 s14, $0x7  }
0x25: {  	s16 =	sand.u32 @!p1 $0x7, s11;
	s15 =	sadd.s32 @!p1 s2, s15;
	s14 =	sand.u32 @!p1 $0x80, s14  }
0x26: {  	[tilespmem:s14], [sflag:$0x2] =	stream.linear.gather @!p1 [hbm4b:s15+s16], $0x80, $0x38;
	[tilespmem:$0x200] =	vst v63  }
0x27: {  	p1 =	sge.u32 s31, s8  }
.Ltmp2:
0x28: {  	_ = 	snop;
	(pc) =	sbr.rel @p1 .LBB2_5-.Ltmp2, $1  }
0x29: {  	_ =	sdelay $0x3  }
0x2a: {  	s14 =	simm.s32 $0x1  }
0x2b: {  	_ =	swait.ge [sflag:s7], $0x80;
	s14 =	simm.s32 @!p0 $0x0  }
0x2c: {  	[sflag:s7] =	ssyncset.done $0x0;
	s14 =	sshll.u32 s14, $0x7  }
0x2d: {  	[sflag:s7] =	ssyncadd.s32 $0xFFFFFF80;
	(ifvalue) =	ssetifvalue $0x7FFFFFFF;
	v0 =	vld.msk [tilespmem:s14+$0x0 ss:$0x1], $0xffff;
	_ =	sdelay $0x3  }
0x2e: {  	s15 =	sadd.s32 $0x10, s14  }
0x2f: {  	v2 =	vld.msk [tilespmem:s15+$0x0 ss:$0x1], $0xffff;
	vm1 =	veq.s32 v0, $0x80000000;
	v1 =	vand.u32 $0x1FFF, v0;
	v0 =	vshrl.u32 v0, $0xD  }
0x30: {  	v1 =	vsel vm1, $0xFFFFFFFF, v1;
	v0 =	vand.u32 $0x7, v0  }
0x31: {  	v0 =	vsel vm1, $0xFFFFFFFF, v0;
	v3 =	vshll.u32 v1, $0x3  }
0x32: {  	v4 =	vand.u32 $0xFFFF0000, v0;
	v3 =	vand.u32 $0xFFFFFC00, v3;
	v0 =	vshll.u32 v0, $0x7  }
0x33: {  	v3 =	vadd.s32 v3, v4;
	v0 =	vand.u32 $0x380, v0  }
0x34: {  	v1 =	vand.u32 $0x7F, v1;
	vm1 =	veq.s32 v2, $0x80000000;
	v0 =	vor.u32 v0, v3  }
0x35: {  	v0 =	vor.u32 v1, v0;
	v1 =	vand.u32 $0x1FFF, v2;
	v2 =	vshrl.u32 v2, $0xD  }
0x36: {  	s17 =	sadd.s32 $0x10, s15;
	v1 =	vsel vm1, $0xFFFFFFFF, v1;
	v2 =	vand.u32 $0x7, v2  }
0x37: {  	v3 =	vld.msk [tilespmem:s17+$0x0 ss:$0x1], $0xffff;
	v2 =	vsel vm1, $0xFFFFFFFF, v2;
	v63 =	vshll.u32 v1, $0x3  }
0x38: {  	v5 =	vand.u32 $0xFFFF0000, v2;
	v4 =	vand.u32 $0xFFFFFC00, v63;
	v2 =	vshll.u32 v2, $0x7  }
0x39: {  	s31 =	sshll.u32 s12, $0x7;
	s15 =	sor.u32 $0x100, s14;
	(ifvalue) =	ssetifvalue $0x7FFFFFFF;
	v4 =	vadd.s32 v4, v5;
	v2 =	vand.u32 $0x380, v2  }
0x3a: {  	[tilespmem:s15], [sflag:$0x1] =	stream.indirect_vreg.gather [hbm4b:s4+s10], $0x1, v0, vm0, $0x4038;
	v0 =	vand.u32 $0x7F, v1;
	v1 =	vor.u32 v2, v4;
	[tilespmem:$0x200] =	vst v63  }
0x3b: {  	s14 =	sand.u32 $0x80, s31;
	v0 =	vor.u32 v0, v1  }
0x3c: {  	s16 =	simm.s32 $0x20;
	s14 =	sor.u32 $0x100, s14;
	s17 =	sadd.s32 $0x10, s17;
	vm1 =	veq.s32 v3, $0x80000000;
	v2 =	vshrl.u32 v3, $0xD;
	v1 =	vand.u32 $0x1FFF, v3  }
.LBB2_3:
0x3d: {  	v3 =	vld.msk [tilespmem:s17+$0x0 ss:$0x1], $0xffff;
	s16 =	sadd.s32 $0x10, s16;
	v1 =	vsel vm1, $0xFFFFFFFF, v1;
	v2 =	vand.u32 $0x7, v2  }
0x3e: {  	p1 =	slt.u32 s16, $0x70;
	v2 =	vsel vm1, $0xFFFFFFFF, v2;
	v4 =	vshll.u32 v1, $0x3  }
.Ltmp3:
0x3f: {  	s15 =	sadd.s32 $0x10, s15;
	v5 =	vand.u32 $0xFFFF0000, v2;
	v4 =	vand.u32 $0xFFFFFC00, v4;
	v2 =	vshll.u32 v2, $0x7;
	(ifvalue) =	ssetifvalue $0x7FFFFFFF;
	(pc) =	sbr.rel @p1 .LBB2_3-.Ltmp3, $4  }
0x40: {  	v4 =	vadd.s32 v4, v5;
	v2 =	vand.u32 $0x380, v2;
	[tilespmem:s15], [sflag:$0x1] =	stream.indirect_vreg.gather [hbm4b:s4+s10], $0x1, v0, vm0, $0x4038;
	[tilespmem:$0x200] =	vst v63  }
0x41: {  	v0 =	vand.u32 $0x7F, v1;
	v1 =	vor.u32 v2, v4  }
0x42: {  	v0 =	vor.u32 v0, v1  }
0x43: {  	s17 =	sadd.s32 $0x10, s17;
	vm1 =	veq.s32 v3, $0x80000000;
	v1 =	vand.u32 $0x1FFF, v3;
	v2 =	vshrl.u32 v3, $0xD  }
.Ltmp4:
0x44: {  	_ = 	snop;
	(pc) =	sbr.rel .LBB2_4-.Ltmp4, $1  }
0x45: {  	_ =	sdelay $0x3  }
.LBB2_6:
0x46: {  	_ =	sfence.sel $0x180000  }
0x47: {  	s2 =	simm.s32 $0x2;
	[bflag:$0x0] =	sbarrier.arrive $0xFFFF  }
0x48: {  	s30 =	simm.s32 $0x3;
	[sflag:s2] =	ssyncpa.u1 $0x1  }
0x49: {  	s31 =	simm.s32 $0x1;
	[sflag:s30] =	ssyncpa.u1 $0x1  }
0x4a: {  	[sflag:s31] =	ssyncpa.u1 $0x1  }
0x4b: {  	p0 =	sne.s32 s0, $0x0;
	_ =	strace $0x90000047  }
0x4c: {  	s0 =	sadd.s32 @!p0 $0x100000, s1;
	[bflag:$0x2] =	sbarrier.arrive $0xFFFF  }
0x4d: {  	[sflag:s0] =	ssyncadd.tile.s32 @!p0 $0x1;
	_ =	shalt  }
.Lfunc_end2:
_tile_overlayer_lowered:
.L_overlay_start_2:
0x4e: {  	(tag) =	ssettag $0x2  }
0x4f: {  	s0 =	rddreg [dreg:$0x0];
	s2 =	stileid.u32  }
0x50: {  	s1 =	rddreg [dreg:$0x1];
	p0 =	sne.s32 s2, $0x0  }
0x51: {  	s3 =	rddreg [dreg:$0x2];
	[bflag:$0x3] =	sbarrier.arrive $0xFFFF;
	s2 =	simm.s32 @!p0 $0x1C01  }
0x52: {  	[timem:s3], [sflag:s2] =	dma.local @!p0 [hbm:s0], s1  }
0x53: {  	s0 =	simm.s32 @!p0 $0x1  }
0x54: {  	_ =	swait.ge @!p0 [sflag:s0], s1  }
0x55: {  	s1 =	ssub.s32 @!p0 $0x0, s1;
	[sflag:s0] =	ssyncset.done @!p0 $0x0  }
0x56: {  	[sflag:s0] =	ssyncadd.s32 @!p0 s1  }
0x57: {  	[bflag:$0x3] =	sbarrier.arrive $0xFFFF  }
0x58: {  	_ =	shalt  }

// kernel: kernel.5.cloned.1.call-start
scs
__scs_entry_jumppad:
0x0: {  	(pc) =	sbr.rel $0x88, $3  }
0x1: {  	(tag) =	ssettag $0x0;
	lr =	simm.s32 $0x1  }
0x2: {  	[smem:$0x3F9A] =	sst lr;
	_ =	strace $0xD0000000  }
0x3: {  	_ = 	snop  }
0x4: {  	_ = 	snop  }
0x5: {  	_ = 	snop  }
0x6: {  	_ = 	snop  }
0x7: {  	_ = 	snop  }
__scs_overlays_trampoline_lowered:
0x8: {  	[smem:$0x3FA9] =	sst s0  }
0x9: {  	[smem:$0x3FAA] =	sst s1  }
0xa: {  	[smem:$0x3FAB] =	sst s2  }
0xb: {  	[smem:$0x3FAC] =	sst s3  }
0xc: {  	[smem:$0x3FAD] =	sst s4  }
0xd: {  	[smem:$0x3FAE] =	sst s5  }
0xe: {  	[smem:$0x3FAF] =	sst s6  }
0xf: {  	[smem:$0x3FB0] =	sst s7  }
0x10: {  	[smem:$0x3FB1] =	sst s8  }
0x11: {  	[smem:$0x3FB2] =	sst s9;
	s0 =	simm.s32 @!p0 $0x0  }
0x12: {  	s1 =	sld [smem:$0x3F98];
	s0 =	simm.s32 @p0 $0x1  }
0x13: {  	[smem:$0x3FB3] =	sst s0;
	s0 =	simm.s32 @!p1 $0x0  }
0x14: {  	s2 =	sld [smem:$0x3F97];
	s0 =	simm.s32 @p1 $0x1  }
0x15: {  	[smem:$0x3FB4] =	sst s0;
	s0 =	simm.s32 @!p2 $0x0  }
0x16: {  	s3 =	sld [smem:$0x3FDB];
	s0 =	simm.s32 @p2 $0x1  }
0x17: {  	s4 =	simm.s32 $0x1BF5;
	[smem:$0x3FB6] =	sst s0  }
0x18: {  	s0 =	sld [smem:$0x3F99];
	_ =	swait.ge [sflag:s4], $0x0  }
0x19: {  	s7 =	sld [smem:$0x3F9A]  }
0x1a: {  	s8 =	sadd.s32 $0xFFFFE003, lr  }
0x1b: {  	s9 =	sadd.s32 $0xFFFFFEF7, lr;
	s5 =	simm.s32 $0xFFFFFFFF;
	p2 =	slt.u32 s8, $0xFFFFF086  }
0x1c: {  	p1 =	slt.u32 s9, $0xF7A;
	s5 =	simm.s32 @!p2 $0x0  }
0x1d: {  	s5 =	simm.s32 @p1 $0x1;
	p0 =	seq.s32 s7, s2  }
0x1e: {  	s7 =	smul.u32 @!p0 $0xF7A, s2;
	p2 =	seq.s32 @!p0 s5, $0x0  }
0x1f: {  	s9 =	smul.u32 $0xF7A, s1;
	s8 =	simm.s32 @!p0 $0x1BF5;
	p2 =	por !p2, p0  }
0x20: {  	[sflag:s8] =	ssyncset.s32 @!p0 $0xFFFFF086;
	s6 =	sadd.s32 @!p0 s3, s7;
	s7 =	simm.s32 @!p0 $0x108  }
0x21: {  	s3 =	sadd.s32 s3, s9;
	s6 =	sadd.s32 @!p0 $0x88, s6;
	s7 =	simm.s32 @p2 $0x1082  }
0x22: {  	[simem:s7], [sflag:s8] =	dma.local @!p0 [hbm:s6], $0xF7A  }
0x23: {  	s9 =	sor.u32 $0xD0000000, s2;
	s6 =	simm.s32 $0x108;
	_ =	swait.ge @!p0 [sflag:s8], $0x0  }
0x24: {  	s3 =	sadd.s32 $0x88, s3;
	s6 =	simm.s32 @!p1 $0x1082;
	[sflag:s4] =	ssyncset.s32 $0xFFFFF086  }
0x25: {  	[simem:s6], [sflag:s4] =	dma.local [hbm:s3], $0xF7A  }
0x26: {  	[smem:$0x3F9A] =	sst s1;
	(tag) =	ssettag s2;
	_ =	strace s9  }
0x27: {  	s1 =	sld [smem:$0x3FAA]  }
0x28: {  	s2 =	sld [smem:$0x3FAB]  }
0x29: {  	s4 =	sld [smem:$0x3FAD]  }
0x2a: {  	p0 =	seq.s32 s5, $0x0;
	s5 =	sld [smem:$0x3FAE]  }
0x2b: {  	s6 =	sld [smem:$0x3FAF]  }
0x2c: {  	s7 =	sld [smem:$0x3FB0]  }
0x2d: {  	s3 =	simm.s32 $0x108;
	s8 =	sld [smem:$0x3FB1]  }
0x2e: {  	s3 =	simm.s32 @!p0 $0x1082;
	s9 =	sld [smem:$0x3FB2]  }
0x2f: {  	lr =	sadd.s32 s0, s3;
	s0 =	sld [smem:$0x3FA9]  }
0x30: {  	s3 =	sld [smem:$0x3FAC]  }
0x31: {  	[smem:$0x3FB5] =	sst s10  }
0x32: {  	s10 =	sld [smem:$0x3FB3];
	_ =	sdelay $0x3  }
0x33: {  	p0 =	seq.s32 s10, $0x1;
	s10 =	sld [smem:$0x3FB5];
	_ =	sdelay $0x3  }
0x34: {  	[smem:$0x3FB5] =	sst s10  }
0x35: {  	s10 =	sld [smem:$0x3FB4];
	_ =	sdelay $0x3  }
0x36: {  	p1 =	seq.s32 s10, $0x1;
	s10 =	sld [smem:$0x3FB5];
	_ =	sdelay $0x3  }
0x37: {  	[smem:$0x3FB5] =	sst s10  }
0x38: {  	s10 =	sld [smem:$0x3FB6]  }
0x39: {  	_ = 	snop;
	(pc) =	sbr.ind lr, $3  }
0x3a: {  	_ = 	snop  }
0x3b: {  	_ = 	snop  }
0x3c: {  	p2 =	seq.s32 s10, $0x1;
	s10 =	sld [smem:$0x3FB5]  }
0x3d: {  	_ =	shalt  }
0x3e: {  	_ =	shalt  }
0x3f: {  	_ =	shalt  }
0x40: {  	_ =	shalt  }
0x41: {  	_ =	shalt  }
0x42: {  	_ =	shalt  }
0x43: {  	_ =	shalt  }
0x44: {  	_ =	shalt  }
0x45: {  	_ =	shalt  }
0x46: {  	_ =	shalt  }
0x47: {  	_ =	shalt  }
0x48: {  	_ =	shalt  }
0x49: {  	_ =	shalt  }
0x4a: {  	_ =	shalt  }
0x4b: {  	_ =	shalt  }
0x4c: {  	_ =	shalt  }
0x4d: {  	_ =	shalt  }
0x4e: {  	_ =	shalt  }
0x4f: {  	_ =	shalt  }
0x50: {  	_ =	shalt  }
0x51: {  	_ =	shalt  }
0x52: {  	_ =	shalt  }
0x53: {  	_ =	shalt  }
0x54: {  	_ =	shalt  }
0x55: {  	_ =	shalt  }
0x56: {  	_ =	shalt  }
0x57: {  	_ =	shalt  }
0x58: {  	_ =	shalt  }
0x59: {  	_ =	shalt  }
0x5a: {  	_ =	shalt  }
0x5b: {  	_ =	shalt  }
0x5c: {  	_ =	shalt  }
0x5d: {  	_ =	shalt  }
0x5e: {  	_ =	shalt  }
0x5f: {  	_ =	shalt  }
0x60: {  	_ =	shalt  }
0x61: {  	_ =	shalt  }
0x62: {  	_ =	shalt  }
0x63: {  	_ =	shalt  }
0x64: {  	_ =	shalt  }
0x65: {  	_ =	shalt  }
0x66: {  	_ =	shalt  }
0x67: {  	_ =	shalt  }
0x68: {  	_ =	shalt  }
0x69: {  	_ =	shalt  }
0x6a: {  	_ =	shalt  }
0x6b: {  	_ =	shalt  }
0x6c: {  	_ =	shalt  }
0x6d: {  	_ =	shalt  }
0x6e: {  	_ =	shalt  }
0x6f: {  	_ =	shalt  }
0x70: {  	_ =	shalt  }
0x71: {  	_ =	shalt  }
0x72: {  	_ =	shalt  }
0x73: {  	_ =	shalt  }
0x74: {  	_ =	shalt  }
0x75: {  	_ =	shalt  }
0x76: {  	_ =	shalt  }
0x77: {  	_ =	shalt  }
0x78: {  	_ =	shalt  }
0x79: {  	_ =	shalt  }
0x7a: {  	_ =	shalt  }
0x7b: {  	_ =	shalt  }
0x7c: {  	_ =	shalt  }
0x7d: {  	_ =	shalt  }
0x7e: {  	_ =	shalt  }
0x7f: {  	_ =	shalt  }
0x80: {  	_ =	shalt  }
0x81: {  	_ =	shalt  }
0x82: {  	_ =	shalt  }
0x83: {  	_ =	shalt  }
0x84: {  	_ =	shalt  }
0x85: {  	_ =	shalt  }
0x86: {  	_ =	shalt  }
0x87: {  	_ =	shalt  }
.Lfunc_end0:
.L_simem_size_0:
called_computation.1_lowered:
.L_overlay_start_0:
0x88: {  	s2 =	sld [smem:$0x3FD9]  }
0x89: {  	s3 =	sld [smem:$0x3FFE];
	_ =	sdelay $0x1  }
0x8a: {  	s1 =	srdreg.scid  }
0x8b: {  	s0 =	sand.u32 $0x1, s1  }
0x8c: {  	s17 =	sshll.u32 s0, $0xA;
	s2 =	sadd.s32 s3, s2  }
0x8d: {  	s2 =	sadd.s32 s2, s17  }
0x8e: {  	[smem:$0x3FC1] =	sst s2  }
0x8f: {  	_ = 	snop  }
0x90: {  	s2 =	sld [smem:$0x3FD0];
	(tm) =	ssettm $0x1  }
0x91: {  	s18 =	sld [smem:$0x3FFB];
	_ =	sdelay $0x3  }
0x92: {  	_ =	strace s18  }
0x93: {  	s3 =	sld [smem:$0x3FFC];
	_ =	sdelay $0x3  }
0x94: {  	_ =	strace s3  }
0x95: {  	s3 =	sld [smem:$0x3FFD];
	_ =	sdelay $0x3  }
0x96: {  	_ =	strace s3  }
0x97: {  	_ =	strace $0x8FFFFFFF  }
0x98: {  	s19 =	sld [smem:$0x3FDB];
	_ =	sdelay $0x1  }
0x99: {  	s4 =	simm.s32 $_scs_section_size  }
0x9a: {  	s5 =	simm.s32 $_size__tile_overlayer_lowered;
	s6 =	simm.s32 $_tile_overlayer_lowered  }
0x9b: {  	s22 =	simm.s32 $0x1BFF;
	s21 =	sshll.u32 s6, $0x1;
	s3 =	sadd.s32 s4, s19  }
0x9c: {  	s7 =	simm.s32 $0x0;
	s20 =	sshll.u32 s5, $0x1;
	s5 =	sadd.s32 s21, s3  }
0x9d: {  	[timem:s7], [sflag:s22] =	dma.local [hbm:s5], s20  }
0x9e: {  	_ =	swait.ge [sflag:s22], s20  }
0x9f: {  	s4 =	ssub.s32 $0x0, s20;
	[sflag:s22] =	ssyncset.done $0x0  }
0xa0: {  	[sflag:s22] =	ssyncadd.s32 s4;
	_ =	sdelay $0x1  }
0xa1: {  	s23 =	simm.s32 $0x1B8B  }
0xa2: {  	_ =	swait.ge [sflag:s23], $0x1  }
0xa3: {  	[sflag:s23] =	ssyncset.done $0x0  }
0xa4: {  	s25 =	simm.s32 $0x1B8E;
	s24 =	sld [smem:$0x3FFE];
	[sflag:s23] =	ssyncadd.s32 $0xFFFFFFFF  }
0xa5: {  	s26 =	simm.s32 $execute0_lowered;
	[smem:$0x3FD2] =	sst s25  }
0xa6: {  	s5 =	sshll.u32 s26, $0x1;
	_ =	strace $0x80000049;
	[dreg:$0x1] =	wrdreg $0xFFFFFFFF  }
0xa7: {  	s28 =	simm.s32 $_size_execute0_lowered;
	s3 =	sadd.s32 s3, s5;
	[dreg:$0x0] =	wrdreg $0x0  }
0xa8: {  	s5 =	sshll.u32 s28, $0x1;
	[dreg:$0x2] =	wrdreg s3  }
0xa9: {  	[dreg:$0x3] =	wrdreg s5  }
0xaa: {  	[dreg:$0x4] =	wrdreg $0xC0  }
0xab: {  	_ =	task [dreg:s7], $0x5FFFF  }
0xac: {  	[dreg:$0x1] =	wrdreg $0xFFFFFFFF  }
0xad: {  	[dreg:$0x0] =	wrdreg $0x60  }
0xae: {  	[dreg:$0x2] =	wrdreg s2  }
0xaf: {  	[dreg:$0x3] =	wrdreg s24  }
0xb0: {  	[dreg:$0x4] =	wrdreg $0x9  }
0xb1: {  	_ =	task.clear_ibuf [dreg:s7], $0x5FFFF;
	_ =	strace $0x90000049  }
0xb2: {  	s29 =	simm.s32 $0x9;
	_ =	strace $0x8000004B  }
0xb3: {  	_ =	swait.ge [sflag:s29], $0x1  }
0xb4: {  	[sflag:s29] =	ssyncadd.s32 $0xFFFFFFFF  }
0xb5: {  	_ =	strace $0x9000004B  }
0xb6: {  	_ =	sfence  }
0xb7: {  	s30 =	sld [smem:$0x0];
	_ =	sdelay $0x2  }
0xb8: {  	s31 =	sshll.u32 s1, $0xD;
	s1 =	sshrl.u32 s1, $0x2  }
0xb9: {  	s3 =	sand.u32 $0x4000, s31;
	s1 =	sadd.s32 s1, s30  }
0xba: {  	s0 =	sor.u32 s3, s0;
	s1 =	sshll.u32 s1, $0x11  }
0xbb: {  	s0 =	sor.u32 s1, s0  }
0xbc: {  	s0 =	sadd.s32 $0x8F2B, s0  }
0xbd: {  	[sflag:s0] =	ssyncadd.remote.s32 $0x1  }
0xbe: {  	_ =	sfence.sel $0xFFFF  }
0xbf: {  	[dreg:$0x0] =	wrdreg $0xFFFFFFFF;
	(pc) =	sbr.abs _section_cstart, $3  }
0xc0: {  	[dreg:$0x1] =	wrdreg $0xFFFFFFFF  }
0xc1: {  	_ =	task.clear_ibuf [dreg:s7], $0x2FFFF;
	_ =	strace $0x9FFFFFFF  }
0xc2: {  	(tm) =	ssettm $0x7FFFFFFF  }
0xc3: {  	_ =	shalt  }
tec
execute0_lowered:
.L_overlay_start_1:
0x0: {  	(tag) =	ssettag $0x1  }
0x1: {  	s0 =	srdreg.scid;
	s2 =	rddreg [dreg:$0x0]  }
0x2: {  	s3 =	stileid.u32;
	s1 =	rddreg [dreg:$0x1]  }
0x3: {  	s8 =	simm.s32 $0x3;
	s9 =	simm.s32 $0x100;
	s28 =	simm.s32 $0x3100  }
0x4: {  	s29 =	simm.s32 $0x3900;
	s30 =	simm.s32 $0x4100;
	s31 =	simm.s32 $0x4900  }
0x5: {  	s16 =	simm.s32 $0x5100;
	s15 =	simm.s32 $0x5900;
	s0 =	sand.u32 $0x1, s0  }
0x6: {  	s11 =	simm.s32 $0x6900;
	s4 =	sshll.u32 s3, $0x9;
	s5 =	sshll.u32 s0, $0x8  }
0x7: {  	s12 =	simm.s32 $0x7100;
	s13 =	simm.s32 $0x7900;
	s4 =	sor.u32 s5, s4  }
0x8: {  	s3 =	simm.s32 $0x0;
	s5 =	sshll.u32 s4, $0x7;
	s4 =	sshrl.u32 s4, $0x3  }
0x9: {  	[smem:$0x7FF] =	sst s3;
	s5 =	sadd.s32 s5, s1;
	s1 =	sadd.s32 s1, s4  }
0xa: {  	_ =	strace $0x8000004A;
	[dreg:$0x3] =	wrdreg s1;
	s18 =	sadd.s32 $0x2800, s5  }
0xb: {  	s6 =	sadd.s32 $0x300, s2;
	s19 =	sadd.s32 $0x3800, s5;
	[dreg:$0x4] =	wrdreg s18  }
0xc: {  	s0 =	ssub.s32 $0x2, s0;
	s20 =	sadd.s32 $0x4800, s5;
	[dreg:$0x5] =	wrdreg s19  }
0xd: {  	s23 =	sshrl.u32 s0, $0x1;
	s21 =	sadd.s32 $0x5800, s5;
	[dreg:$0x6] =	wrdreg s20  }
0xe: {  	s0 =	ssub.s32 s0, s23;
	s22 =	sadd.s32 $0x6800, s5;
	[dreg:$0x7] =	wrdreg s21  }
0xf: {  	s23 =	simm.s32 $0x1900;
	s24 =	sadd.s32 $0x7800, s5;
	[dreg:$0x8] =	wrdreg s22  }
0x10: {  	s4 =	sadd.s32 $0x100, s2;
	s25 =	sadd.s32 $0x8800, s5;
	[dreg:$0x9] =	wrdreg s24  }
0x11: {  	s7 =	smax.u32 s0, $0x1;
	s26 =	sadd.s32 $0x9800, s5;
	[dreg:$0xa] =	wrdreg s25  }
0x12: {  	v2 =	vlaneseq.u32;
	s5 =	sadd.s32 $0x200, s2;
	[dreg:$0xb] =	wrdreg s26;
	s25 =	simm.s32 $0x8100  }
0x13: {  	vm0 =	vmmov $0xffff;
	v1 =	vshrl.u32 v2, $0x3;
	s18 =	simm.s32 $0x1;
	s19 =	simm.s32 $0x2;
	s21 =	simm.s32 $0x900  }
0x14: {  	v0 =	vand.u32 $0x7, v2;
	v2 =	vor.u32 $0x8, v2;
	v1 =	vmul.u32 $0x8, v1;
	s22 =	simm.s32 $0x1100;
	s24 =	simm.s32 $0x2100;
	s26 =	simm.s32 $0x2900  }
.LBB2_1:
0x15: {  	s20 =	rddreg [dreg:$0x3]  }
0x16: {  	[tilespmem:s3], [sflag:$0x3] =	stream.linear.gather [hbm4b:s20+s3], $0x100, $0x38;
	[tilespmem:$0x10100] =	vst v63  }
0x17: {  	_ =	swait.ge [sflag:s8], $0x100  }
0x18: {  	[sflag:s8] =	ssyncset.done $0x0  }
0x19: {  	[sflag:s8] =	ssyncadd.s32 $0xFFFFFF00  }
0x1a: {  	v3 =	vld [tilespmem:$0x0];
	_ =	sdelay $0x4  }
0x1b: {  	v4 =	vshll.u32 v3, $0x3  }
0x1c: {  	v3 =	vand.u32 $0x7, v3;
	v4 =	vand.u32 $0xFFFFFFC0, v4  }
0x1d: {  	v3 =	vor.u32 v3, v4  }
0x1e: {  	v4 =	vperm.xlane v3, v0;
	_ =	sdelay $0x1  }
0x1f: {  	v4 =	vadd.s32 v1, v4;
	_ =	sdelay $0x4  }
0x20: {  	[tilespmem:s9], [sflag:$0x1] =	stream.indirect_vreg.gather [hbm4b:s2+s3], $0x80, v4, vm0, $0xb8;
	[tilespmem:$0x10100] =	vst v63  }
0x21: {  	v3 =	vperm.xlane v3, v2  }
0x22: {  	[tilespmem:s21], [sflag:$0x1] =	stream.indirect_vreg.gather [hbm4b:s4+s3], $0x80, v4, vm0, $0xb8;
	[tilespmem:$0x10100] =	vst v63  }
0x23: {  	v3 =	vadd.s32 v1, v3  }
0x24: {  	[tilespmem:s22], [sflag:$0x1] =	stream.indirect_vreg.gather [hbm4b:s5+s3], $0x80, v4, vm0, $0xb8;
	[tilespmem:$0x10100] =	vst v63  }
0x25: {  	_ = 	snop  }
0x26: {  	[tilespmem:s23], [sflag:$0x1] =	stream.indirect_vreg.gather [hbm4b:s6+s3], $0x80, v4, vm0, $0xb8;
	[tilespmem:$0x10100] =	vst v63  }
0x27: {  	_ = 	snop  }
0x28: {  	[tilespmem:s24], [sflag:$0x1] =	stream.indirect_vreg.gather [hbm4b:s2+s3], $0x80, v3, vm0, $0xb8;
	[tilespmem:$0x10100] =	vst v63  }
0x29: {  	_ = 	snop  }
0x2a: {  	[tilespmem:s26], [sflag:$0x1] =	stream.indirect_vreg.gather [hbm4b:s4+s3], $0x80, v3, vm0, $0xb8;
	[tilespmem:$0x10100] =	vst v63  }
0x2b: {  	_ = 	snop  }
0x2c: {  	[tilespmem:s28], [sflag:$0x1] =	stream.indirect_vreg.gather [hbm4b:s5+s3], $0x80, v3, vm0, $0xb8;
	[tilespmem:$0x10100] =	vst v63  }
0x2d: {  	_ = 	snop  }
0x2e: {  	[tilespmem:s29], [sflag:$0x1] =	stream.indirect_vreg.gather [hbm4b:s6+s3], $0x80, v3, vm0, $0xb8;
	[tilespmem:$0x10100] =	vst v63  }
0x2f: {  	v3 =	vld [tilespmem:$0x10];
	_ =	sdelay $0x4  }
0x30: {  	v49 =	vshll.u32 v3, $0x3  }
0x31: {  	v3 =	vand.u32 $0x7, v3;
	v4 =	vand.u32 $0xFFFFFFC0, v49  }
0x32: {  	v3 =	vor.u32 v3, v4  }
0x33: {  	v4 =	vperm.xlane v3, v0;
	_ =	sdelay $0x1  }
0x34: {  	v4 =	vadd.s32 v1, v4;
	_ =	sdelay $0x4  }
0x35: {  	[tilespmem:s30], [sflag:$0x1] =	stream.indirect_vreg.gather [hbm4b:s2+s3], $0x80, v4, vm0, $0xb8;
	[tilespmem:$0x10100] =	vst v63  }
0x36: {  	v3 =	vperm.xlane v3, v2  }
0x37: {  	[tilespmem:s31], [sflag:$0x1] =	stream.indirect_vreg.gather [hbm4b:s4+s3], $0x80, v4, vm0, $0xb8;
	[tilespmem:$0x10100] =	vst v63  }
0x38: {  	v3 =	vadd.s32 v1, v3  }
0x39: {  	[tilespmem:s16], [sflag:$0x1] =	stream.indirect_vreg.gather [hbm4b:s5+s3], $0x80, v4, vm0, $0xb8;
	[tilespmem:$0x10100] =	vst v63  }
0x3a: {  	_ = 	snop  }
0x3b: {  	[tilespmem:s15], [sflag:$0x1] =	stream.indirect_vreg.gather [hbm4b:s6+s3], $0x80, v4, vm0, $0xb8;
	[tilespmem:$0x10100] =	vst v63  }
0x3c: {  	s10 =	simm.s32 $0x6100  }
0x3d: {  	[tilespmem:s10], [sflag:$0x1] =	stream.indirect_vreg.gather [hbm4b:s2+s3], $0x80, v3, vm0, $0xb8;
	[tilespmem:$0x10100] =	vst v63  }
0x3e: {  	_ = 	snop  }
0x3f: {  	[tilespmem:s11], [sflag:$0x1] =	stream.indirect_vreg.gather [hbm4b:s4+s3], $0x80, v3, vm0, $0xb8;
	[tilespmem:$0x10100] =	vst v63  }
0x40: {  	_ = 	snop  }
0x41: {  	[tilespmem:s12], [sflag:$0x1] =	stream.indirect_vreg.gather [hbm4b:s5+s3], $0x80, v3, vm0, $0xb8;
	[tilespmem:$0x10100] =	vst v63  }
0x42: {  	_ = 	snop  }
0x43: {  	[tilespmem:s13], [sflag:$0x1] =	stream.indirect_vreg.gather [hbm4b:s6+s3], $0x80, v3, vm0, $0xb8;
	[tilespmem:$0x10100] =	vst v63  }
0x44: {  	v3 =	vld [tilespmem:$0x20];
	_ =	sdelay $0x4  }
0x45: {  	v50 =	vshll.u32 v3, $0x3  }
0x46: {  	v3 =	vand.u32 $0x7, v3;
	v4 =	vand.u32 $0xFFFFFFC0, v50  }
0x47: {  	v3 =	vor.u32 v3, v4  }
0x48: {  	v4 =	vperm.xlane v3, v0;
	_ =	sdelay $0x1  }
0x49: {  	v4 =	vadd.s32 v1, v4;
	_ =	sdelay $0x4  }
0x4a: {  	[tilespmem:s25], [sflag:$0x2] =	stream.indirect_vreg.gather [hbm4b:s2+s3], $0x80, v4, vm0, $0xb8;
	[tilespmem:$0x10100] =	vst v63  }
0x4b: {  	s14 =	simm.s32 $0x8900;
	v3 =	vperm.xlane v3, v2  }
0x4c: {  	[tilespmem:s14], [sflag:$0x2] =	stream.indirect_vreg.gather [hbm4b:s4+s3], $0x80, v4, vm0, $0xb8;
	[tilespmem:$0x10100] =	vst v63  }
0x4d: {  	s17 =	simm.s32 $0x9100;
	v3 =	vadd.s32 v1, v3  }
0x4e: {  	[tilespmem:s17], [sflag:$0x2] =	stream.indirect_vreg.gather [hbm4b:s5+s3], $0x80, v4, vm0, $0xb8;
	[tilespmem:$0x10100] =	vst v63  }
0x4f: {  	s20 =	simm.s32 $0x9900  }
0x50: {  	[tilespmem:s20], [sflag:$0x2] =	stream.indirect_vreg.gather [hbm4b:s6+s3], $0x80, v4, vm0, $0xb8;
	[tilespmem:$0x10100] =	vst v63  }
0x51: {  	s1 =	simm.s32 $0xA100  }
0x52: {  	[tilespmem:s1], [sflag:$0x2] =	stream.indirect_vreg.gather [hbm4b:s2+s3], $0x80, v3, vm0, $0xb8;
	[tilespmem:$0x10100] =	vst v63  }
0x53: {  	s17 =	simm.s32 $0xA900  }
0x54: {  	[tilespmem:s17], [sflag:$0x2] =	stream.indirect_vreg.gather [hbm4b:s4+s3], $0x80, v3, vm0, $0xb8;
	[tilespmem:$0x10100] =	vst v63  }
0x55: {  	s1 =	simm.s32 $0xB100  }
0x56: {  	[tilespmem:s1], [sflag:$0x2] =	stream.indirect_vreg.gather [hbm4b:s5+s3], $0x80, v3, vm0, $0xb8;
	[tilespmem:$0x10100] =	vst v63  }
0x57: {  	s14 =	simm.s32 $0xB900  }
0x58: {  	[tilespmem:s14], [sflag:$0x2] =	stream.indirect_vreg.gather [hbm4b:s6+s3], $0x80, v3, vm0, $0xb8;
	[tilespmem:$0x10100] =	vst v63  }
0x59: {  	v3 =	vld [tilespmem:$0x30];
	_ =	sdelay $0x4  }
0x5a: {  	v51 =	vshll.u32 v3, $0x3  }
0x5b: {  	v3 =	vand.u32 $0x7, v3;
	v4 =	vand.u32 $0xFFFFFFC0, v51  }
0x5c: {  	v3 =	vor.u32 v3, v4  }
0x5d: {  	v4 =	vperm.xlane v3, v0;
	_ =	sdelay $0x1  }
0x5e: {  	v4 =	vadd.s32 v1, v4;
	_ =	sdelay $0x3  }
0x5f: {  	s17 =	simm.s32 $0xC100  }
0x60: {  	[tilespmem:s17], [sflag:$0x2] =	stream.indirect_vreg.gather [hbm4b:s2+s3], $0x80, v4, vm0, $0xb8;
	[tilespmem:$0x10100] =	vst v63  }
0x61: {  	s1 =	simm.s32 $0xC900;
	v3 =	vperm.xlane v3, v2  }
0x62: {  	[tilespmem:s1], [sflag:$0x2] =	stream.indirect_vreg.gather [hbm4b:s4+s3], $0x80, v4, vm0, $0xb8;
	[tilespmem:$0x10100] =	vst v63  }
0x63: {  	v3 =	vadd.s32 v1, v3;
	s1 =	simm.s32 $0xD100  }
0x64: {  	[tilespmem:s1], [sflag:$0x2] =	stream.indirect_vreg.gather [hbm4b:s5+s3], $0x80, v4, vm0, $0xb8;
	[tilespmem:$0x10100] =	vst v63  }
0x65: {  	s1 =	simm.s32 $0xD900  }
0x66: {  	[tilespmem:s1], [sflag:$0x2] =	stream.indirect_vreg.gather [hbm4b:s6+s3], $0x80, v4, vm0, $0xb8;
	[tilespmem:$0x10100] =	vst v63  }
0x67: {  	s1 =	simm.s32 $0xE100  }
0x68: {  	[tilespmem:s1], [sflag:$0x2] =	stream.indirect_vreg.gather [hbm4b:s2+s3], $0x80, v3, vm0, $0xb8;
	[tilespmem:$0x10100] =	vst v63  }
0x69: {  	s1 =	simm.s32 $0xE900  }
0x6a: {  	[tilespmem:s1], [sflag:$0x2] =	stream.indirect_vreg.gather [hbm4b:s4+s3], $0x80, v3, vm0, $0xb8;
	[tilespmem:$0x10100] =	vst v63  }
0x6b: {  	s1 =	simm.s32 $0xF100  }
0x6c: {  	[tilespmem:s1], [sflag:$0x2] =	stream.indirect_vreg.gather [hbm4b:s5+s3], $0x80, v3, vm0, $0xb8;
	[tilespmem:$0x10100] =	vst v63  }
0x6d: {  	s1 =	simm.s32 $0xF900  }
0x6e: {  	[tilespmem:s1], [sflag:$0x2] =	stream.indirect_vreg.gather [hbm4b:s6+s3], $0x80, v3, vm0, $0xb8;
	[tilespmem:$0x10100] =	vst v63  }
0x6f: {  	_ =	swait.ge [sflag:s18], $0x8000  }
0x70: {  	[sflag:s18] =	ssyncset.done $0x0  }
0x71: {  	s1 =	rddreg [dreg:$0x4];
	[sflag:s18] =	ssyncadd.s32 $0xFFFF8000  }
0x72: {  	[hbm4b:s1+s3] =	stream.linear.scatter [tilespmem:s9], [sflag:$0x3], $0x8000, $0x38;
	[tilespmem:$0x10100] =	vst v63  }
0x73: {  	_ =	swait.ge [sflag:s8], $0x8000  }
0x74: {  	[sflag:s8] =	ssyncset.done $0x0  }
0x75: {  	[sflag:s8] =	ssyncadd.s32 $0xFFFF8000  }
0x76: {  	v3 =	vld [tilespmem:$0x40];
	_ =	sdelay $0x4  }
0x77: {  	v52 =	vshll.u32 v3, $0x3  }
0x78: {  	v3 =	vand.u32 $0x7, v3;
	v4 =	vand.u32 $0xFFFFFFC0, v52  }
0x79: {  	v3 =	vor.u32 v3, v4  }
0x7a: {  	v4 =	vperm.xlane v3, v0;
	_ =	sdelay $0x1  }
0x7b: {  	v4 =	vadd.s32 v1, v4;
	_ =	sdelay $0x4  }
0x7c: {  	[tilespmem:s9], [sflag:$0x1] =	stream.indirect_vreg.gather [hbm4b:s2+s3], $0x80, v4, vm0, $0xb8;
	[tilespmem:$0x10100] =	vst v63  }
0x7d: {  	v3 =	vperm.xlane v3, v2  }
0x7e: {  	[tilespmem:s21], [sflag:$0x1] =	stream.indirect_vreg.gather [hbm4b:s4+s3], $0x80, v4, vm0, $0xb8;
	[tilespmem:$0x10100] =	vst v63  }
0x7f: {  	v3 =	vadd.s32 v1, v3  }
0x80: {  	[tilespmem:s22], [sflag:$0x1] =	stream.indirect_vreg.gather [hbm4b:s5+s3], $0x80, v4, vm0, $0xb8;
	[tilespmem:$0x10100] =	vst v63  }
0x81: {  	_ = 	snop  }
0x82: {  	[tilespmem:s23], [sflag:$0x1] =	stream.indirect_vreg.gather [hbm4b:s6+s3], $0x80, v4, vm0, $0xb8;
	[tilespmem:$0x10100] =	vst v63  }
0x83: {  	_ = 	snop  }
0x84: {  	[tilespmem:s24], [sflag:$0x1] =	stream.indirect_vreg.gather [hbm4b:s2+s3], $0x80, v3, vm0, $0xb8;
	[tilespmem:$0x10100] =	vst v63  }
0x85: {  	_ = 	snop  }
0x86: {  	[tilespmem:s26], [sflag:$0x1] =	stream.indirect_vreg.gather [hbm4b:s4+s3], $0x80, v3, vm0, $0xb8;
	[tilespmem:$0x10100] =	vst v63  }
0x87: {  	_ = 	snop  }
0x88: {  	[tilespmem:s28], [sflag:$0x1] =	stream.indirect_vreg.gather [hbm4b:s5+s3], $0x80, v3, vm0, $0xb8;
	[tilespmem:$0x10100] =	vst v63  }
0x89: {  	_ = 	snop  }
0x8a: {  	[tilespmem:s29], [sflag:$0x1] =	stream.indirect_vreg.gather [hbm4b:s6+s3], $0x80, v3, vm0, $0xb8;
	[tilespmem:$0x10100] =	vst v63  }
0x8b: {  	v3 =	vld [tilespmem:$0x50];
	_ =	sdelay $0x4  }
0x8c: {  	v53 =	vshll.u32 v3, $0x3  }
0x8d: {  	v3 =	vand.u32 $0x7, v3;
	v4 =	vand.u32 $0xFFFFFFC0, v53  }
0x8e: {  	v3 =	vor.u32 v3, v4  }
0x8f: {  	v4 =	vperm.xlane v3, v0;
	_ =	sdelay $0x1  }
0x90: {  	v4 =	vadd.s32 v1, v4;
	_ =	sdelay $0x4  }
0x91: {  	[tilespmem:s30], [sflag:$0x1] =	stream.indirect_vreg.gather [hbm4b:s2+s3], $0x80, v4, vm0, $0xb8;
	[tilespmem:$0x10100] =	vst v63  }
0x92: {  	v3 =	vperm.xlane v3, v2  }
0x93: {  	[tilespmem:s31], [sflag:$0x1] =	stream.indirect_vreg.gather [hbm4b:s4+s3], $0x80, v4, vm0, $0xb8;
	[tilespmem:$0x10100] =	vst v63  }
0x94: {  	v3 =	vadd.s32 v1, v3  }
0x95: {  	[tilespmem:s16], [sflag:$0x1] =	stream.indirect_vreg.gather [hbm4b:s5+s3], $0x80, v4, vm0, $0xb8;
	[tilespmem:$0x10100] =	vst v63  }
0x96: {  	_ = 	snop  }
0x97: {  	[tilespmem:s15], [sflag:$0x1] =	stream.indirect_vreg.gather [hbm4b:s6+s3], $0x80, v4, vm0, $0xb8;
	[tilespmem:$0x10100] =	vst v63  }
0x98: {  	_ = 	snop  }
0x99: {  	[tilespmem:s10], [sflag:$0x1] =	stream.indirect_vreg.gather [hbm4b:s2+s3], $0x80, v3, vm0, $0xb8;
	[tilespmem:$0x10100] =	vst v63  }
0x9a: {  	_ = 	snop  }
0x9b: {  	[tilespmem:s11], [sflag:$0x1] =	stream.indirect_vreg.gather [hbm4b:s4+s3], $0x80, v3, vm0, $0xb8;
	[tilespmem:$0x10100] =	vst v63  }
0x9c: {  	_ = 	snop  }
0x9d: {  	[tilespmem:s12], [sflag:$0x1] =	stream.indirect_vreg.gather [hbm4b:s5+s3], $0x80, v3, vm0, $0xb8;
	[tilespmem:$0x10100] =	vst v63  }
0x9e: {  	_ = 	snop  }
0x9f: {  	[tilespmem:s13], [sflag:$0x1] =	stream.indirect_vreg.gather [hbm4b:s6+s3], $0x80, v3, vm0, $0xb8;
	[tilespmem:$0x10100] =	vst v63  }
0xa0: {  	_ =	swait.ge [sflag:s19], $0x8000  }
0xa1: {  	[sflag:s19] =	ssyncset.done $0x0  }
0xa2: {  	s1 =	rddreg [dreg:$0x5];
	[sflag:s19] =	ssyncadd.s32 $0xFFFF8000  }
0xa3: {  	[hbm4b:s1+s3] =	stream.linear.scatter [tilespmem:s25], [sflag:$0x3], $0x8000, $0x38;
	[tilespmem:$0x10100] =	vst v63  }
0xa4: {  	_ =	swait.ge [sflag:s8], $0x8000  }
0xa5: {  	[sflag:s8] =	ssyncset.done $0x0  }
0xa6: {  	[sflag:s8] =	ssyncadd.s32 $0xFFFF8000  }
0xa7: {  	v3 =	vld [tilespmem:$0x60];
	_ =	sdelay $0x4  }
0xa8: {  	v54 =	vshll.u32 v3, $0x3  }
0xa9: {  	v3 =	vand.u32 $0x7, v3;
	v4 =	vand.u32 $0xFFFFFFC0, v54  }
0xaa: {  	v3 =	vor.u32 v3, v4  }
0xab: {  	v4 =	vperm.xlane v3, v0;
	_ =	sdelay $0x1  }
0xac: {  	v4 =	vadd.s32 v1, v4;
	_ =	sdelay $0x4  }
0xad: {  	[tilespmem:s25], [sflag:$0x2] =	stream.indirect_vreg.gather [hbm4b:s2+s3], $0x80, v4, vm0, $0xb8;
	[tilespmem:$0x10100] =	vst v63  }
0xae: {  	s0 =	simm.s32 $0x8900;
	v3 =	vperm.xlane v3, v2  }
0xaf: {  	[tilespmem:s0], [sflag:$0x2] =	stream.indirect_vreg.gather [hbm4b:s4+s3], $0x80, v4, vm0, $0xb8;
	[tilespmem:$0x10100] =	vst v63  }
0xb0: {  	v3 =	vadd.s32 v1, v3;
	s0 =	simm.s32 $0x9100  }
0xb1: {  	[tilespmem:s0], [sflag:$0x2] =	stream.indirect_vreg.gather [hbm4b:s5+s3], $0x80, v4, vm0, $0xb8;
	[tilespmem:$0x10100] =	vst v63  }
0xb2: {  	s1 =	simm.s32 $0x9900  }
0xb3: {  	[tilespmem:s1], [sflag:$0x2] =	stream.indirect_vreg.gather [hbm4b:s6+s3], $0x80, v4, vm0, $0xb8;
	[tilespmem:$0x10100] =	vst v63  }
0xb4: {  	s20 =	simm.s32 $0xA100  }
0xb5: {  	[tilespmem:s20], [sflag:$0x2] =	stream.indirect_vreg.gather [hbm4b:s2+s3], $0x80, v3, vm0, $0xb8;
	[tilespmem:$0x10100] =	vst v63  }
0xb6: {  	s20 =	simm.s32 $0xA900  }
0xb7: {  	[tilespmem:s20], [sflag:$0x2] =	stream.indirect_vreg.gather [hbm4b:s4+s3], $0x80, v3, vm0, $0xb8;
	[tilespmem:$0x10100] =	vst v63  }
0xb8: {  	s20 =	simm.s32 $0xB100  }
0xb9: {  	[tilespmem:s20], [sflag:$0x2] =	stream.indirect_vreg.gather [hbm4b:s5+s3], $0x80, v3, vm0, $0xb8;
	[tilespmem:$0x10100] =	vst v63  }
0xba: {  	s14 =	simm.s32 $0xB900  }
0xbb: {  	[tilespmem:s14], [sflag:$0x2] =	stream.indirect_vreg.gather [hbm4b:s6+s3], $0x80, v3, vm0, $0xb8;
	[tilespmem:$0x10100] =	vst v63  }
0xbc: {  	v3 =	vld [tilespmem:$0x70];
	_ =	sdelay $0x4  }
0xbd: {  	v55 =	vshll.u32 v3, $0x3  }
0xbe: {  	v3 =	vand.u32 $0x7, v3;
	v4 =	vand.u32 $0xFFFFFFC0, v55  }
0xbf: {  	v3 =	vor.u32 v3, v4  }
0xc0: {  	v4 =	vperm.xlane v3, v0;
	_ =	sdelay $0x1  }
0xc1: {  	v4 =	vadd.s32 v1, v4;
	_ =	sdelay $0x3  }
0xc2: {  	s17 =	simm.s32 $0xC100  }
0xc3: {  	[tilespmem:s17], [sflag:$0x2] =	stream.indirect_vreg.gather [hbm4b:s2+s3], $0x80, v4, vm0, $0xb8;
	[tilespmem:$0x10100] =	vst v63  }
0xc4: {  	s20 =	simm.s32 $0xC900;
	v3 =	vperm.xlane v3, v2  }
0xc5: {  	[tilespmem:s20], [sflag:$0x2] =	stream.indirect_vreg.gather [hbm4b:s4+s3], $0x80, v4, vm0, $0xb8;
	[tilespmem:$0x10100] =	vst v63  }
0xc6: {  	v3 =	vadd.s32 v1, v3;
	s17 =	simm.s32 $0xD100  }
0xc7: {  	[tilespmem:s17], [sflag:$0x2] =	stream.indirect_vreg.gather [hbm4b:s5+s3], $0x80, v4, vm0, $0xb8;
	[tilespmem:$0x10100] =	vst v63  }
0xc8: {  	s20 =	simm.s32 $0xD900  }
0xc9: {  	[tilespmem:s20], [sflag:$0x2] =	stream.indirect_vreg.gather [hbm4b:s6+s3], $0x80, v4, vm0, $0xb8;
	[tilespmem:$0x10100] =	vst v63  }
0xca: {  	s17 =	simm.s32 $0xE100  }
0xcb: {  	[tilespmem:s17], [sflag:$0x2] =	stream.indirect_vreg.gather [hbm4b:s2+s3], $0x80, v3, vm0, $0xb8;
	[tilespmem:$0x10100] =	vst v63  }
0xcc: {  	s20 =	simm.s32 $0xE900  }
0xcd: {  	[tilespmem:s20], [sflag:$0x2] =	stream.indirect_vreg.gather [hbm4b:s4+s3], $0x80, v3, vm0, $0xb8;
	[tilespmem:$0x10100] =	vst v63  }
0xce: {  	s17 =	simm.s32 $0xF100  }
0xcf: {  	[tilespmem:s17], [sflag:$0x2] =	stream.indirect_vreg.gather [hbm4b:s5+s3], $0x80, v3, vm0, $0xb8;
	[tilespmem:$0x10100] =	vst v63  }
0xd0: {  	s20 =	simm.s32 $0xF900  }
0xd1: {  	[tilespmem:s20], [sflag:$0x2] =	stream.indirect_vreg.gather [hbm4b:s6+s3], $0x80, v3, vm0, $0xb8;
	[tilespmem:$0x10100] =	vst v63  }
0xd2: {  	_ =	swait.ge [sflag:s18], $0x8000  }
0xd3: {  	[sflag:s18] =	ssyncset.done $0x0  }
0xd4: {  	s17 =	rddreg [dreg:$0x6];
	[sflag:s18] =	ssyncadd.s32 $0xFFFF8000  }
0xd5: {  	[hbm4b:s17+s3] =	stream.linear.scatter [tilespmem:s9], [sflag:$0x3], $0x8000, $0x38;
	[tilespmem:$0x10100] =	vst v63  }
0xd6: {  	_ =	swait.ge [sflag:s8], $0x8000  }
0xd7: {  	[sflag:s8] =	ssyncset.done $0x0  }
0xd8: {  	[sflag:s8] =	ssyncadd.s32 $0xFFFF8000  }
0xd9: {  	v3 =	vld [tilespmem:$0x80];
	_ =	sdelay $0x4  }
0xda: {  	v56 =	vshll.u32 v3, $0x3  }
0xdb: {  	v3 =	vand.u32 $0x7, v3;
	v4 =	vand.u32 $0xFFFFFFC0, v56  }
0xdc: {  	v3 =	vor.u32 v3, v4  }
0xdd: {  	v4 =	vperm.xlane v3, v0;
	_ =	sdelay $0x1  }
0xde: {  	v4 =	vadd.s32 v1, v4;
	_ =	sdelay $0x4  }
0xdf: {  	[tilespmem:s9], [sflag:$0x1] =	stream.indirect_vreg.gather [hbm4b:s2+s3], $0x80, v4, vm0, $0xb8;
	[tilespmem:$0x10100] =	vst v63  }
0xe0: {  	v3 =	vperm.xlane v3, v2  }
0xe1: {  	[tilespmem:s21], [sflag:$0x1] =	stream.indirect_vreg.gather [hbm4b:s4+s3], $0x80, v4, vm0, $0xb8;
	[tilespmem:$0x10100] =	vst v63  }
0xe2: {  	v3 =	vadd.s32 v1, v3  }
0xe3: {  	[tilespmem:s22], [sflag:$0x1] =	stream.indirect_vreg.gather [hbm4b:s5+s3], $0x80, v4, vm0, $0xb8;
	[tilespmem:$0x10100] =	vst v63  }
0xe4: {  	_ = 	snop  }
0xe5: {  	[tilespmem:s23], [sflag:$0x1] =	stream.indirect_vreg.gather [hbm4b:s6+s3], $0x80, v4, vm0, $0xb8;
	[tilespmem:$0x10100] =	vst v63  }
0xe6: {  	_ = 	snop  }
0xe7: {  	[tilespmem:s24], [sflag:$0x1] =	stream.indirect_vreg.gather [hbm4b:s2+s3], $0x80, v3, vm0, $0xb8;
	[tilespmem:$0x10100] =	vst v63  }
0xe8: {  	_ = 	snop  }
0xe9: {  	[tilespmem:s26], [sflag:$0x1] =	stream.indirect_vreg.gather [hbm4b:s4+s3], $0x80, v3, vm0, $0xb8;
	[tilespmem:$0x10100] =	vst v63  }
0xea: {  	_ = 	snop  }
0xeb: {  	[tilespmem:s28], [sflag:$0x1] =	stream.indirect_vreg.gather [hbm4b:s5+s3], $0x80, v3, vm0, $0xb8;
	[tilespmem:$0x10100] =	vst v63  }
0xec: {  	_ = 	snop  }
0xed: {  	[tilespmem:s29], [sflag:$0x1] =	stream.indirect_vreg.gather [hbm4b:s6+s3], $0x80, v3, vm0, $0xb8;
	[tilespmem:$0x10100] =	vst v63  }
0xee: {  	v3 =	vld [tilespmem:$0x90];
	_ =	sdelay $0x4  }
0xef: {  	v57 =	vshll.u32 v3, $0x3  }
0xf0: {  	v3 =	vand.u32 $0x7, v3;
	v4 =	vand.u32 $0xFFFFFFC0, v57  }
0xf1: {  	v3 =	vor.u32 v3, v4  }
0xf2: {  	v4 =	vperm.xlane v3, v0;
	_ =	sdelay $0x1  }
0xf3: {  	v4 =	vadd.s32 v1, v4;
	_ =	sdelay $0x4  }
0xf4: {  	[tilespmem:s30], [sflag:$0x1] =	stream.indirect_vreg.gather [hbm4b:s2+s3], $0x80, v4, vm0, $0xb8;
	[tilespmem:$0x10100] =	vst v63  }
0xf5: {  	v3 =	vperm.xlane v3, v2  }
0xf6: {  	[tilespmem:s31], [sflag:$0x1] =	stream.indirect_vreg.gather [hbm4b:s4+s3], $0x80, v4, vm0, $0xb8;
	[tilespmem:$0x10100] =	vst v63  }
0xf7: {  	v3 =	vadd.s32 v1, v3  }
0xf8: {  	[tilespmem:s16], [sflag:$0x1] =	stream.indirect_vreg.gather [hbm4b:s5+s3], $0x80, v4, vm0, $0xb8;
	[tilespmem:$0x10100] =	vst v63  }
0xf9: {  	_ = 	snop  }
0xfa: {  	[tilespmem:s15], [sflag:$0x1] =	stream.indirect_vreg.gather [hbm4b:s6+s3], $0x80, v4, vm0, $0xb8;
	[tilespmem:$0x10100] =	vst v63  }
0xfb: {  	_ = 	snop  }
0xfc: {  	[tilespmem:s10], [sflag:$0x1] =	stream.indirect_vreg.gather [hbm4b:s2+s3], $0x80, v3, vm0, $0xb8;
	[tilespmem:$0x10100] =	vst v63  }
0xfd: {  	_ = 	snop  }
0xfe: {  	[tilespmem:s11], [sflag:$0x1] =	stream.indirect_vreg.gather [hbm4b:s4+s3], $0x80, v3, vm0, $0xb8;
	[tilespmem:$0x10100] =	vst v63  }
0xff: {  	_ = 	snop  }
0x100: {  	[tilespmem:s12], [sflag:$0x1] =	stream.indirect_vreg.gather [hbm4b:s5+s3], $0x80, v3, vm0, $0xb8;
	[tilespmem:$0x10100] =	vst v63  }
0x101: {  	_ = 	snop  }
0x102: {  	[tilespmem:s13], [sflag:$0x1] =	stream.indirect_vreg.gather [hbm4b:s6+s3], $0x80, v3, vm0, $0xb8;
	[tilespmem:$0x10100] =	vst v63  }
0x103: {  	_ =	swait.ge [sflag:s19], $0x8000  }
0x104: {  	[sflag:s19] =	ssyncset.done $0x0  }
0x105: {  	s14 =	rddreg [dreg:$0x7];
	[sflag:s19] =	ssyncadd.s32 $0xFFFF8000  }
0x106: {  	[hbm4b:s14+s3] =	stream.linear.scatter [tilespmem:s25], [sflag:$0x3], $0x8000, $0x38;
	[tilespmem:$0x10100] =	vst v63  }
0x107: {  	_ =	swait.ge [sflag:s8], $0x8000  }
0x108: {  	[sflag:s8] =	ssyncset.done $0x0  }
0x109: {  	[sflag:s8] =	ssyncadd.s32 $0xFFFF8000  }
0x10a: {  	v3 =	vld [tilespmem:$0xA0];
	_ =	sdelay $0x4  }
0x10b: {  	v58 =	vshll.u32 v3, $0x3  }
0x10c: {  	v3 =	vand.u32 $0x7, v3;
	v4 =	vand.u32 $0xFFFFFFC0, v58  }
0x10d: {  	v3 =	vor.u32 v3, v4  }
0x10e: {  	v4 =	vperm.xlane v3, v0;
	_ =	sdelay $0x1  }
0x10f: {  	v4 =	vadd.s32 v1, v4;
	_ =	sdelay $0x4  }
0x110: {  	[tilespmem:s25], [sflag:$0x2] =	stream.indirect_vreg.gather [hbm4b:s2+s3], $0x80, v4, vm0, $0xb8;
	[tilespmem:$0x10100] =	vst v63  }
0x111: {  	s17 =	simm.s32 $0x8900;
	v3 =	vperm.xlane v3, v2  }
0x112: {  	[tilespmem:s17], [sflag:$0x2] =	stream.indirect_vreg.gather [hbm4b:s4+s3], $0x80, v4, vm0, $0xb8;
	[tilespmem:$0x10100] =	vst v63  }
0x113: {  	v3 =	vadd.s32 v1, v3  }
0x114: {  	[tilespmem:s0], [sflag:$0x2] =	stream.indirect_vreg.gather [hbm4b:s5+s3], $0x80, v4, vm0, $0xb8;
	[tilespmem:$0x10100] =	vst v63  }
0x115: {  	_ = 	snop  }
0x116: {  	[tilespmem:s1], [sflag:$0x2] =	stream.indirect_vreg.gather [hbm4b:s6+s3], $0x80, v4, vm0, $0xb8;
	[tilespmem:$0x10100] =	vst v63  }
0x117: {  	s20 =	simm.s32 $0xA100  }
0x118: {  	[tilespmem:s20], [sflag:$0x2] =	stream.indirect_vreg.gather [hbm4b:s2+s3], $0x80, v3, vm0, $0xb8;
	[tilespmem:$0x10100] =	vst v63  }
0x119: {  	s17 =	simm.s32 $0xA900  }
0x11a: {  	[tilespmem:s17], [sflag:$0x2] =	stream.indirect_vreg.gather [hbm4b:s4+s3], $0x80, v3, vm0, $0xb8;
	[tilespmem:$0x10100] =	vst v63  }
0x11b: {  	s20 =	simm.s32 $0xB100  }
0x11c: {  	[tilespmem:s20], [sflag:$0x2] =	stream.indirect_vreg.gather [hbm4b:s5+s3], $0x80, v3, vm0, $0xb8;
	[tilespmem:$0x10100] =	vst v63  }
0x11d: {  	s20 =	simm.s32 $0xB900  }
0x11e: {  	[tilespmem:s20], [sflag:$0x2] =	stream.indirect_vreg.gather [hbm4b:s6+s3], $0x80, v3, vm0, $0xb8;
	[tilespmem:$0x10100] =	vst v63  }
0x11f: {  	v3 =	vld [tilespmem:$0xB0];
	_ =	sdelay $0x4  }
0x120: {  	v59 =	vshll.u32 v3, $0x3  }
0x121: {  	v3 =	vand.u32 $0x7, v3;
	v4 =	vand.u32 $0xFFFFFFC0, v59  }
0x122: {  	v3 =	vor.u32 v3, v4  }
0x123: {  	v4 =	vperm.xlane v3, v0;
	_ =	sdelay $0x1  }
0x124: {  	v4 =	vadd.s32 v1, v4;
	_ =	sdelay $0x3  }
0x125: {  	s20 =	simm.s32 $0xC100  }
0x126: {  	[tilespmem:s20], [sflag:$0x2] =	stream.indirect_vreg.gather [hbm4b:s2+s3], $0x80, v4, vm0, $0xb8;
	[tilespmem:$0x10100] =	vst v63  }
0x127: {  	v3 =	vperm.xlane v3, v2;
	s20 =	simm.s32 $0xC900  }
0x128: {  	[tilespmem:s20], [sflag:$0x2] =	stream.indirect_vreg.gather [hbm4b:s4+s3], $0x80, v4, vm0, $0xb8;
	[tilespmem:$0x10100] =	vst v63  }
0x129: {  	v3 =	vadd.s32 v1, v3;
	s20 =	simm.s32 $0xD100  }
0x12a: {  	[tilespmem:s20], [sflag:$0x2] =	stream.indirect_vreg.gather [hbm4b:s5+s3], $0x80, v4, vm0, $0xb8;
	[tilespmem:$0x10100] =	vst v63  }
0x12b: {  	s20 =	simm.s32 $0xD900  }
0x12c: {  	[tilespmem:s20], [sflag:$0x2] =	stream.indirect_vreg.gather [hbm4b:s6+s3], $0x80, v4, vm0, $0xb8;
	[tilespmem:$0x10100] =	vst v63  }
0x12d: {  	s20 =	simm.s32 $0xE100  }
0x12e: {  	[tilespmem:s20], [sflag:$0x2] =	stream.indirect_vreg.gather [hbm4b:s2+s3], $0x80, v3, vm0, $0xb8;
	[tilespmem:$0x10100] =	vst v63  }
0x12f: {  	s20 =	simm.s32 $0xE900  }
0x130: {  	[tilespmem:s20], [sflag:$0x2] =	stream.indirect_vreg.gather [hbm4b:s4+s3], $0x80, v3, vm0, $0xb8;
	[tilespmem:$0x10100] =	vst v63  }
0x131: {  	s20 =	simm.s32 $0xF100  }
0x132: {  	[tilespmem:s20], [sflag:$0x2] =	stream.indirect_vreg.gather [hbm4b:s5+s3], $0x80, v3, vm0, $0xb8;
	[tilespmem:$0x10100] =	vst v63  }
0x133: {  	s20 =	simm.s32 $0xF900  }
0x134: {  	[tilespmem:s20], [sflag:$0x2] =	stream.indirect_vreg.gather [hbm4b:s6+s3], $0x80, v3, vm0, $0xb8;
	[tilespmem:$0x10100] =	vst v63  }
0x135: {  	_ =	swait.ge [sflag:s18], $0x8000  }
0x136: {  	[sflag:s18] =	ssyncset.done $0x0  }
0x137: {  	s20 =	rddreg [dreg:$0x8];
	[sflag:s18] =	ssyncadd.s32 $0xFFFF8000  }
0x138: {  	[hbm4b:s20+s3] =	stream.linear.scatter [tilespmem:s9], [sflag:$0x3], $0x8000, $0x38;
	[tilespmem:$0x10100] =	vst v63  }
0x139: {  	_ =	swait.ge [sflag:s8], $0x8000  }
0x13a: {  	[sflag:s8] =	ssyncset.done $0x0  }
0x13b: {  	[sflag:s8] =	ssyncadd.s32 $0xFFFF8000  }
0x13c: {  	v3 =	vld [tilespmem:$0xC0];
	_ =	sdelay $0x4  }
0x13d: {  	v60 =	vshll.u32 v3, $0x3  }
0x13e: {  	v3 =	vand.u32 $0x7, v3;
	v4 =	vand.u32 $0xFFFFFFC0, v60  }
0x13f: {  	v3 =	vor.u32 v3, v4  }
0x140: {  	v4 =	vperm.xlane v3, v0;
	_ =	sdelay $0x1  }
0x141: {  	v4 =	vadd.s32 v1, v4;
	_ =	sdelay $0x4  }
0x142: {  	[tilespmem:s9], [sflag:$0x1] =	stream.indirect_vreg.gather [hbm4b:s2+s3], $0x80, v4, vm0, $0xb8;
	[tilespmem:$0x10100] =	vst v63  }
0x143: {  	v3 =	vperm.xlane v3, v2  }
0x144: {  	[tilespmem:s21], [sflag:$0x1] =	stream.indirect_vreg.gather [hbm4b:s4+s3], $0x80, v4, vm0, $0xb8;
	[tilespmem:$0x10100] =	vst v63  }
0x145: {  	v3 =	vadd.s32 v1, v3  }
0x146: {  	[tilespmem:s22], [sflag:$0x1] =	stream.indirect_vreg.gather [hbm4b:s5+s3], $0x80, v4, vm0, $0xb8;
	[tilespmem:$0x10100] =	vst v63  }
0x147: {  	_ = 	snop  }
0x148: {  	[tilespmem:s23], [sflag:$0x1] =	stream.indirect_vreg.gather [hbm4b:s6+s3], $0x80, v4, vm0, $0xb8;
	[tilespmem:$0x10100] =	vst v63  }
0x149: {  	_ = 	snop  }
0x14a: {  	[tilespmem:s24], [sflag:$0x1] =	stream.indirect_vreg.gather [hbm4b:s2+s3], $0x80, v3, vm0, $0xb8;
	[tilespmem:$0x10100] =	vst v63  }
0x14b: {  	_ = 	snop  }
0x14c: {  	[tilespmem:s26], [sflag:$0x1] =	stream.indirect_vreg.gather [hbm4b:s4+s3], $0x80, v3, vm0, $0xb8;
	[tilespmem:$0x10100] =	vst v63  }
0x14d: {  	_ = 	snop  }
0x14e: {  	[tilespmem:s28], [sflag:$0x1] =	stream.indirect_vreg.gather [hbm4b:s5+s3], $0x80, v3, vm0, $0xb8;
	[tilespmem:$0x10100] =	vst v63  }
0x14f: {  	_ = 	snop  }
0x150: {  	[tilespmem:s29], [sflag:$0x1] =	stream.indirect_vreg.gather [hbm4b:s6+s3], $0x80, v3, vm0, $0xb8;
	[tilespmem:$0x10100] =	vst v63  }
0x151: {  	v3 =	vld [tilespmem:$0xD0];
	_ =	sdelay $0x4  }
0x152: {  	v61 =	vshll.u32 v3, $0x3  }
0x153: {  	v3 =	vand.u32 $0x7, v3;
	v4 =	vand.u32 $0xFFFFFFC0, v61  }
0x154: {  	v3 =	vor.u32 v3, v4  }
0x155: {  	v4 =	vperm.xlane v3, v0;
	_ =	sdelay $0x1  }
0x156: {  	v4 =	vadd.s32 v1, v4;
	_ =	sdelay $0x4  }
0x157: {  	[tilespmem:s30], [sflag:$0x1] =	stream.indirect_vreg.gather [hbm4b:s2+s3], $0x80, v4, vm0, $0xb8;
	[tilespmem:$0x10100] =	vst v63  }
0x158: {  	v3 =	vperm.xlane v3, v2  }
0x159: {  	[tilespmem:s31], [sflag:$0x1] =	stream.indirect_vreg.gather [hbm4b:s4+s3], $0x80, v4, vm0, $0xb8;
	[tilespmem:$0x10100] =	vst v63  }
0x15a: {  	v3 =	vadd.s32 v1, v3  }
0x15b: {  	[tilespmem:s16], [sflag:$0x1] =	stream.indirect_vreg.gather [hbm4b:s5+s3], $0x80, v4, vm0, $0xb8;
	[tilespmem:$0x10100] =	vst v63  }
0x15c: {  	_ = 	snop  }
0x15d: {  	[tilespmem:s15], [sflag:$0x1] =	stream.indirect_vreg.gather [hbm4b:s6+s3], $0x80, v4, vm0, $0xb8;
	[tilespmem:$0x10100] =	vst v63  }
0x15e: {  	_ = 	snop  }
0x15f: {  	[tilespmem:s10], [sflag:$0x1] =	stream.indirect_vreg.gather [hbm4b:s2+s3], $0x80, v3, vm0, $0xb8;
	[tilespmem:$0x10100] =	vst v63  }
0x160: {  	_ = 	snop  }
0x161: {  	[tilespmem:s11], [sflag:$0x1] =	stream.indirect_vreg.gather [hbm4b:s4+s3], $0x80, v3, vm0, $0xb8;
	[tilespmem:$0x10100] =	vst v63  }
0x162: {  	_ = 	snop  }
0x163: {  	[tilespmem:s12], [sflag:$0x1] =	stream.indirect_vreg.gather [hbm4b:s5+s3], $0x80, v3, vm0, $0xb8;
	[tilespmem:$0x10100] =	vst v63  }
0x164: {  	_ = 	snop  }
0x165: {  	[tilespmem:s13], [sflag:$0x1] =	stream.indirect_vreg.gather [hbm4b:s6+s3], $0x80, v3, vm0, $0xb8;
	[tilespmem:$0x10100] =	vst v63  }
0x166: {  	_ =	swait.ge [sflag:s19], $0x8000  }
0x167: {  	[sflag:s19] =	ssyncset.done $0x0  }
0x168: {  	s10 =	rddreg [dreg:$0x9];
	[sflag:s19] =	ssyncadd.s32 $0xFFFF8000  }
0x169: {  	[hbm4b:s10+s3] =	stream.linear.scatter [tilespmem:s25], [sflag:$0x3], $0x8000, $0x38;
	[tilespmem:$0x10100] =	vst v63  }
0x16a: {  	_ =	swait.ge [sflag:s8], $0x8000  }
0x16b: {  	[sflag:s8] =	ssyncset.done $0x0  }
0x16c: {  	[sflag:s8] =	ssyncadd.s32 $0xFFFF8000  }
0x16d: {  	v3 =	vld [tilespmem:$0xE0];
	_ =	sdelay $0x4  }
0x16e: {  	v62 =	vshll.u32 v3, $0x3  }
0x16f: {  	v3 =	vand.u32 $0x7, v3;
	v4 =	vand.u32 $0xFFFFFFC0, v62  }
0x170: {  	v3 =	vor.u32 v3, v4  }
0x171: {  	v4 =	vperm.xlane v3, v0;
	_ =	sdelay $0x1  }
0x172: {  	v4 =	vadd.s32 v1, v4;
	_ =	sdelay $0x4  }
0x173: {  	[tilespmem:s25], [sflag:$0x2] =	stream.indirect_vreg.gather [hbm4b:s2+s3], $0x80, v4, vm0, $0xb8;
	[tilespmem:$0x10100] =	vst v63  }
0x174: {  	s20 =	simm.s32 $0x8900;
	v3 =	vperm.xlane v3, v2  }
0x175: {  	[tilespmem:s20], [sflag:$0x2] =	stream.indirect_vreg.gather [hbm4b:s4+s3], $0x80, v4, vm0, $0xb8;
	[tilespmem:$0x10100] =	vst v63  }
0x176: {  	s0 =	simm.s32 $0x9100;
	v3 =	vadd.s32 v1, v3  }
0x177: {  	[tilespmem:s0], [sflag:$0x2] =	stream.indirect_vreg.gather [hbm4b:s5+s3], $0x80, v4, vm0, $0xb8;
	[tilespmem:$0x10100] =	vst v63  }
0x178: {  	s1 =	simm.s32 $0x9900  }
0x179: {  	[tilespmem:s1], [sflag:$0x2] =	stream.indirect_vreg.gather [hbm4b:s6+s3], $0x80, v4, vm0, $0xb8;
	[tilespmem:$0x10100] =	vst v63  }
0x17a: {  	s10 =	simm.s32 $0xA100  }
0x17b: {  	[tilespmem:s10], [sflag:$0x2] =	stream.indirect_vreg.gather [hbm4b:s2+s3], $0x80, v3, vm0, $0xb8;
	[tilespmem:$0x10100] =	vst v63  }
0x17c: {  	s14 =	simm.s32 $0xA900  }
0x17d: {  	[tilespmem:s14], [sflag:$0x2] =	stream.indirect_vreg.gather [hbm4b:s4+s3], $0x80, v3, vm0, $0xb8;
	[tilespmem:$0x10100] =	vst v63  }
0x17e: {  	s17 =	simm.s32 $0xB100  }
0x17f: {  	[tilespmem:s17], [sflag:$0x2] =	stream.indirect_vreg.gather [hbm4b:s5+s3], $0x80, v3, vm0, $0xb8;
	[tilespmem:$0x10100] =	vst v63  }
0x180: {  	s17 =	simm.s32 $0xB900  }
0x181: {  	[tilespmem:s17], [sflag:$0x2] =	stream.indirect_vreg.gather [hbm4b:s6+s3], $0x80, v3, vm0, $0xb8;
	[tilespmem:$0x10100] =	vst v63  }
0x182: {  	v3 =	vld [tilespmem:$0xF0];
	_ =	sdelay $0x4  }
0x183: {  	v63 =	vshll.u32 v3, $0x3  }
0x184: {  	v3 =	vand.u32 $0x7, v3;
	v4 =	vand.u32 $0xFFFFFFC0, v63  }
0x185: {  	v3 =	vor.u32 v3, v4  }
0x186: {  	v4 =	vperm.xlane v3, v0;
	_ =	sdelay $0x1  }
0x187: {  	v4 =	vadd.s32 v1, v4;
	_ =	sdelay $0x3  }
0x188: {  	s20 =	simm.s32 $0xC100  }
0x189: {  	[tilespmem:s20], [sflag:$0x2] =	stream.indirect_vreg.gather [hbm4b:s2+s3], $0x80, v4, vm0, $0xb8;
	[tilespmem:$0x10100] =	vst v63  }
0x18a: {  	s1 =	simm.s32 $0xC900;
	v3 =	vperm.xlane v3, v2  }
0x18b: {  	[tilespmem:s1], [sflag:$0x2] =	stream.indirect_vreg.gather [hbm4b:s4+s3], $0x80, v4, vm0, $0xb8;
	[tilespmem:$0x10100] =	vst v63  }
0x18c: {  	s10 =	simm.s32 $0xD100;
	v3 =	vadd.s32 v1, v3  }
0x18d: {  	[tilespmem:s10], [sflag:$0x2] =	stream.indirect_vreg.gather [hbm4b:s5+s3], $0x80, v4, vm0, $0xb8;
	[tilespmem:$0x10100] =	vst v63  }
0x18e: {  	s14 =	simm.s32 $0xD900  }
0x18f: {  	[tilespmem:s14], [sflag:$0x2] =	stream.indirect_vreg.gather [hbm4b:s6+s3], $0x80, v4, vm0, $0xb8;
	[tilespmem:$0x10100] =	vst v63  }
0x190: {  	s17 =	simm.s32 $0xE100  }
0x191: {  	[tilespmem:s17], [sflag:$0x2] =	stream.indirect_vreg.gather [hbm4b:s2+s3], $0x80, v3, vm0, $0xb8;
	[tilespmem:$0x10100] =	vst v63  }
0x192: {  	s20 =	simm.s32 $0xE900  }
0x193: {  	[tilespmem:s20], [sflag:$0x2] =	stream.indirect_vreg.gather [hbm4b:s4+s3], $0x80, v3, vm0, $0xb8;
	[tilespmem:$0x10100] =	vst v63  }
0x194: {  	s1 =	simm.s32 $0xF100  }
0x195: {  	[tilespmem:s1], [sflag:$0x2] =	stream.indirect_vreg.gather [hbm4b:s5+s3], $0x80, v3, vm0, $0xb8;
	[tilespmem:$0x10100] =	vst v63  }
0x196: {  	s10 =	simm.s32 $0xF900  }
0x197: {  	[tilespmem:s10], [sflag:$0x2] =	stream.indirect_vreg.gather [hbm4b:s6+s3], $0x80, v3, vm0, $0xb8;
	[tilespmem:$0x10100] =	vst v63  }
0x198: {  	_ =	swait.ge [sflag:s18], $0x8000  }
0x199: {  	[sflag:s18] =	ssyncset.done $0x0  }
0x19a: {  	s14 =	rddreg [dreg:$0xa];
	[sflag:s18] =	ssyncadd.s32 $0xFFFF8000  }
0x19b: {  	[hbm4b:s14+s3] =	stream.linear.scatter [tilespmem:s9], [sflag:$0x3], $0x8000, $0x38;
	[tilespmem:$0x10100] =	vst v63  }
0x19c: {  	_ =	swait.ge [sflag:s8], $0x8000  }
0x19d: {  	[sflag:s8] =	ssyncset.done $0x0  }
0x19e: {  	[sflag:s8] =	ssyncadd.s32 $0xFFFF8000  }
0x19f: {  	_ =	swait.ge [sflag:s19], $0x8000  }
0x1a0: {  	p0 =	sne.s32 s7, $0x1;
	[sflag:s19] =	ssyncset.done $0x0  }
.Ltmp0:
0x1a1: {  	s17 =	rddreg [dreg:$0xb];
	[sflag:s19] =	ssyncadd.s32 $0xFFFF8000;
	(pc) =	sbr.rel @p0 .LBB2_1-.Ltmp0, $4  }
0x1a2: {  	[hbm4b:s17+s3] =	stream.linear.scatter [tilespmem:s25], [sflag:$0x3], $0x8000, $0x38;
	[tilespmem:$0x10100] =	vst v63  }
0x1a3: {  	_ =	swait.ge [sflag:s8], $0x8000  }
0x1a4: {  	[sflag:s8] =	ssyncset.done $0x0  }
0x1a5: {  	s7 =	sadd.s32 $0xFFFFFFFF, s7;
	[sflag:s8] =	ssyncadd.s32 $0xFFFF8000  }
0x1a6: {  	_ =	sfence.sel $0x180000  }
0x1a7: {  	[bflag:$0x0] =	sbarrier.arrive $0xFFFF  }
0x1a8: {  	_ =	strace $0x9000004A  }
0x1a9: {  	s0 =	stileid.u32;
	[bflag:$0x2] =	sbarrier.arrive $0xFFFF  }
0x1aa: {  	p0 =	sne.s32 s0, $0x0;
	s0 =	rddreg [dreg:$0x2]  }
0x1ab: {  	s0 =	sadd.s32 @!p0 $0x100000, s0  }
0x1ac: {  	[sflag:s0] =	ssyncadd.tile.s32 @!p0 $0x1;
	_ =	shalt  }
.Lfunc_end2:
_tile_overlayer_lowered:
.L_overlay_start_2:
0x1ad: {  	(tag) =	ssettag $0x2  }
0x1ae: {  	s0 =	rddreg [dreg:$0x0];
	s2 =	stileid.u32  }
0x1af: {  	s1 =	rddreg [dreg:$0x1];
	p0 =	sne.s32 s2, $0x0  }
0x1b0: {  	s3 =	rddreg [dreg:$0x2];
	[bflag:$0x3] =	sbarrier.arrive $0xFFFF;
	s2 =	simm.s32 @!p0 $0x1C03  }
0x1b1: {  	[timem:s3], [sflag:s2] =	dma.local @!p0 [hbm:s0], s1  }
0x1b2: {  	s0 =	simm.s32 @!p0 $0x3  }
0x1b3: {  	_ =	swait.ge @!p0 [sflag:s0], s1  }
0x1b4: {  	s1 =	ssub.s32 @!p0 $0x0, s1;
	[sflag:s0] =	ssyncset.done @!p0 $0x0  }
0x1b5: {  	[sflag:s0] =	ssyncadd.s32 @!p0 s1  }
0x1b6: {  	[bflag:$0x3] =	sbarrier.arrive $0xFFFF  }
0x1b7: {  	_ =	shalt  }

// kernel: kernel.8.cloned.1.call-start
scs
__scs_entry_jumppad:
0x0: {  	(pc) =	sbr.rel $0x88, $3  }
0x1: {  	(tag) =	ssettag $0x0;
	lr =	simm.s32 $0x1  }
0x2: {  	[smem:$0x3F9A] =	sst lr;
	_ =	strace $0xD0000000  }
0x3: {  	_ = 	snop  }
0x4: {  	_ = 	snop  }
0x5: {  	_ = 	snop  }
0x6: {  	_ = 	snop  }
0x7: {  	_ = 	snop  }
__scs_overlays_trampoline_lowered:
0x8: {  	[smem:$0x3FA9] =	sst s0  }
0x9: {  	[smem:$0x3FAA] =	sst s1  }
0xa: {  	[smem:$0x3FAB] =	sst s2  }
0xb: {  	[smem:$0x3FAC] =	sst s3  }
0xc: {  	[smem:$0x3FAD] =	sst s4  }
0xd: {  	[smem:$0x3FAE] =	sst s5  }
0xe: {  	[smem:$0x3FAF] =	sst s6  }
0xf: {  	[smem:$0x3FB0] =	sst s7  }
0x10: {  	[smem:$0x3FB1] =	sst s8  }
0x11: {  	[smem:$0x3FB2] =	sst s9;
	s0 =	simm.s32 @!p0 $0x0  }
0x12: {  	s1 =	sld [smem:$0x3F98];
	s0 =	simm.s32 @p0 $0x1  }
0x13: {  	[smem:$0x3FB3] =	sst s0;
	s0 =	simm.s32 @!p1 $0x0  }
0x14: {  	s2 =	sld [smem:$0x3F97];
	s0 =	simm.s32 @p1 $0x1  }
0x15: {  	[smem:$0x3FB4] =	sst s0;
	s0 =	simm.s32 @!p2 $0x0  }
0x16: {  	s3 =	sld [smem:$0x3FDB];
	s0 =	simm.s32 @p2 $0x1  }
0x17: {  	s4 =	simm.s32 $0x1BF5;
	[smem:$0x3FB6] =	sst s0  }
0x18: {  	s0 =	sld [smem:$0x3F99];
	_ =	swait.ge [sflag:s4], $0x0  }
0x19: {  	s7 =	sld [smem:$0x3F9A]  }
0x1a: {  	s8 =	sadd.s32 $0xFFFFE003, lr  }
0x1b: {  	s9 =	sadd.s32 $0xFFFFFEF7, lr;
	s5 =	simm.s32 $0xFFFFFFFF;
	p2 =	slt.u32 s8, $0xFFFFF086  }
0x1c: {  	p1 =	slt.u32 s9, $0xF7A;
	s5 =	simm.s32 @!p2 $0x0  }
0x1d: {  	s5 =	simm.s32 @p1 $0x1;
	p0 =	seq.s32 s7, s2  }
0x1e: {  	s7 =	smul.u32 @!p0 $0xF7A, s2;
	p2 =	seq.s32 @!p0 s5, $0x0  }
0x1f: {  	s9 =	smul.u32 $0xF7A, s1;
	s8 =	simm.s32 @!p0 $0x1BF5;
	p2 =	por !p2, p0  }
0x20: {  	[sflag:s8] =	ssyncset.s32 @!p0 $0xFFFFF086;
	s6 =	sadd.s32 @!p0 s3, s7;
	s7 =	simm.s32 @!p0 $0x108  }
0x21: {  	s3 =	sadd.s32 s3, s9;
	s6 =	sadd.s32 @!p0 $0x88, s6;
	s7 =	simm.s32 @p2 $0x1082  }
0x22: {  	[simem:s7], [sflag:s8] =	dma.local @!p0 [hbm:s6], $0xF7A  }
0x23: {  	s9 =	sor.u32 $0xD0000000, s2;
	s6 =	simm.s32 $0x108;
	_ =	swait.ge @!p0 [sflag:s8], $0x0  }
0x24: {  	s3 =	sadd.s32 $0x88, s3;
	s6 =	simm.s32 @!p1 $0x1082;
	[sflag:s4] =	ssyncset.s32 $0xFFFFF086  }
0x25: {  	[simem:s6], [sflag:s4] =	dma.local [hbm:s3], $0xF7A  }
0x26: {  	[smem:$0x3F9A] =	sst s1;
	(tag) =	ssettag s2;
	_ =	strace s9  }
0x27: {  	s1 =	sld [smem:$0x3FAA]  }
0x28: {  	s2 =	sld [smem:$0x3FAB]  }
0x29: {  	s4 =	sld [smem:$0x3FAD]  }
0x2a: {  	p0 =	seq.s32 s5, $0x0;
	s5 =	sld [smem:$0x3FAE]  }
0x2b: {  	s6 =	sld [smem:$0x3FAF]  }
0x2c: {  	s7 =	sld [smem:$0x3FB0]  }
0x2d: {  	s3 =	simm.s32 $0x108;
	s8 =	sld [smem:$0x3FB1]  }
0x2e: {  	s3 =	simm.s32 @!p0 $0x1082;
	s9 =	sld [smem:$0x3FB2]  }
0x2f: {  	lr =	sadd.s32 s0, s3;
	s0 =	sld [smem:$0x3FA9]  }
0x30: {  	s3 =	sld [smem:$0x3FAC]  }
0x31: {  	[smem:$0x3FB5] =	sst s10  }
0x32: {  	s10 =	sld [smem:$0x3FB3];
	_ =	sdelay $0x3  }
0x33: {  	p0 =	seq.s32 s10, $0x1;
	s10 =	sld [smem:$0x3FB5];
	_ =	sdelay $0x3  }
0x34: {  	[smem:$0x3FB5] =	sst s10  }
0x35: {  	s10 =	sld [smem:$0x3FB4];
	_ =	sdelay $0x3  }
0x36: {  	p1 =	seq.s32 s10, $0x1;
	s10 =	sld [smem:$0x3FB5];
	_ =	sdelay $0x3  }
0x37: {  	[smem:$0x3FB5] =	sst s10  }
0x38: {  	s10 =	sld [smem:$0x3FB6]  }
0x39: {  	_ = 	snop;
	(pc) =	sbr.ind lr, $3  }
0x3a: {  	_ = 	snop  }
0x3b: {  	_ = 	snop  }
0x3c: {  	p2 =	seq.s32 s10, $0x1;
	s10 =	sld [smem:$0x3FB5]  }
0x3d: {  	_ =	shalt  }
0x3e: {  	_ =	shalt  }
0x3f: {  	_ =	shalt  }
0x40: {  	_ =	shalt  }
0x41: {  	_ =	shalt  }
0x42: {  	_ =	shalt  }
0x43: {  	_ =	shalt  }
0x44: {  	_ =	shalt  }
0x45: {  	_ =	shalt  }
0x46: {  	_ =	shalt  }
0x47: {  	_ =	shalt  }
0x48: {  	_ =	shalt  }
0x49: {  	_ =	shalt  }
0x4a: {  	_ =	shalt  }
0x4b: {  	_ =	shalt  }
0x4c: {  	_ =	shalt  }
0x4d: {  	_ =	shalt  }
0x4e: {  	_ =	shalt  }
0x4f: {  	_ =	shalt  }
0x50: {  	_ =	shalt  }
0x51: {  	_ =	shalt  }
0x52: {  	_ =	shalt  }
0x53: {  	_ =	shalt  }
0x54: {  	_ =	shalt  }
0x55: {  	_ =	shalt  }
0x56: {  	_ =	shalt  }
0x57: {  	_ =	shalt  }
0x58: {  	_ =	shalt  }
0x59: {  	_ =	shalt  }
0x5a: {  	_ =	shalt  }
0x5b: {  	_ =	shalt  }
0x5c: {  	_ =	shalt  }
0x5d: {  	_ =	shalt  }
0x5e: {  	_ =	shalt  }
0x5f: {  	_ =	shalt  }
0x60: {  	_ =	shalt  }
0x61: {  	_ =	shalt  }
0x62: {  	_ =	shalt  }
0x63: {  	_ =	shalt  }
0x64: {  	_ =	shalt  }
0x65: {  	_ =	shalt  }
0x66: {  	_ =	shalt  }
0x67: {  	_ =	shalt  }
0x68: {  	_ =	shalt  }
0x69: {  	_ =	shalt  }
0x6a: {  	_ =	shalt  }
0x6b: {  	_ =	shalt  }
0x6c: {  	_ =	shalt  }
0x6d: {  	_ =	shalt  }
0x6e: {  	_ =	shalt  }
0x6f: {  	_ =	shalt  }
0x70: {  	_ =	shalt  }
0x71: {  	_ =	shalt  }
0x72: {  	_ =	shalt  }
0x73: {  	_ =	shalt  }
0x74: {  	_ =	shalt  }
0x75: {  	_ =	shalt  }
0x76: {  	_ =	shalt  }
0x77: {  	_ =	shalt  }
0x78: {  	_ =	shalt  }
0x79: {  	_ =	shalt  }
0x7a: {  	_ =	shalt  }
0x7b: {  	_ =	shalt  }
0x7c: {  	_ =	shalt  }
0x7d: {  	_ =	shalt  }
0x7e: {  	_ =	shalt  }
0x7f: {  	_ =	shalt  }
0x80: {  	_ =	shalt  }
0x81: {  	_ =	shalt  }
0x82: {  	_ =	shalt  }
0x83: {  	_ =	shalt  }
0x84: {  	_ =	shalt  }
0x85: {  	_ =	shalt  }
0x86: {  	_ =	shalt  }
0x87: {  	_ =	shalt  }
.Lfunc_end0:
.L_simem_size_0:
called_computation.2_lowered:
.L_overlay_start_0:
0x88: {  	s2 =	sld [smem:$0x3FD9]  }
0x89: {  	s3 =	sld [smem:$0x3FFE];
	_ =	sdelay $0x1  }
0x8a: {  	s1 =	srdreg.scid  }
0x8b: {  	s0 =	sand.u32 $0x1, s1  }
0x8c: {  	s17 =	sshll.u32 s0, $0xA;
	s2 =	sadd.s32 s3, s2  }
0x8d: {  	s2 =	sadd.s32 s2, s17  }
0x8e: {  	[smem:$0x3FC1] =	sst s2  }
0x8f: {  	_ = 	snop  }
0x90: {  	s2 =	sld [smem:$0x3FD0];
	(tm) =	ssettm $0x1  }
0x91: {  	s18 =	sld [smem:$0x3FFB];
	_ =	sdelay $0x3  }
0x92: {  	_ =	strace s18  }
0x93: {  	s3 =	sld [smem:$0x3FFC];
	_ =	sdelay $0x3  }
0x94: {  	_ =	strace s3  }
0x95: {  	s3 =	sld [smem:$0x3FFD];
	_ =	sdelay $0x3  }
0x96: {  	_ =	strace s3  }
0x97: {  	_ =	strace $0x8FFFFFFF  }
0x98: {  	s19 =	sld [smem:$0x3FDB];
	_ =	sdelay $0x1  }
0x99: {  	s4 =	simm.s32 $_scs_section_size  }
0x9a: {  	s5 =	simm.s32 $_size__tile_overlayer_lowered;
	s6 =	simm.s32 $_tile_overlayer_lowered  }
0x9b: {  	s22 =	simm.s32 $0x1BFF;
	s21 =	sshll.u32 s6, $0x1;
	s3 =	sadd.s32 s4, s19  }
0x9c: {  	s7 =	simm.s32 $0x0;
	s20 =	sshll.u32 s5, $0x1;
	s5 =	sadd.s32 s21, s3  }
0x9d: {  	[timem:s7], [sflag:s22] =	dma.local [hbm:s5], s20  }
0x9e: {  	_ =	swait.ge [sflag:s22], s20  }
0x9f: {  	s4 =	ssub.s32 $0x0, s20;
	[sflag:s22] =	ssyncset.done $0x0  }
0xa0: {  	[sflag:s22] =	ssyncadd.s32 s4;
	_ =	sdelay $0x1  }
0xa1: {  	s23 =	simm.s32 $0x1B8B  }
0xa2: {  	_ =	swait.ge [sflag:s23], $0x1  }
0xa3: {  	[sflag:s23] =	ssyncset.done $0x0  }
0xa4: {  	s25 =	simm.s32 $0x1B8E;
	s24 =	sld [smem:$0x3FFE];
	[sflag:s23] =	ssyncadd.s32 $0xFFFFFFFF  }
0xa5: {  	s26 =	simm.s32 $execute0_lowered;
	[smem:$0x3FD2] =	sst s25  }
0xa6: {  	s5 =	sshll.u32 s26, $0x1;
	_ =	strace $0x8000004C;
	[dreg:$0x1] =	wrdreg $0xFFFFFFFF  }
0xa7: {  	s28 =	simm.s32 $_size_execute0_lowered;
	s3 =	sadd.s32 s3, s5;
	[dreg:$0x0] =	wrdreg $0x0  }
0xa8: {  	s5 =	sshll.u32 s28, $0x1;
	[dreg:$0x2] =	wrdreg s3  }
0xa9: {  	[dreg:$0x3] =	wrdreg s5  }
0xaa: {  	[dreg:$0x4] =	wrdreg $0xC0  }
0xab: {  	_ =	task [dreg:s7], $0x5FFFF  }
0xac: {  	[dreg:$0x1] =	wrdreg $0xFFFFFFFF  }
0xad: {  	[dreg:$0x0] =	wrdreg $0x60  }
0xae: {  	[dreg:$0x2] =	wrdreg s24  }
0xaf: {  	[dreg:$0x3] =	wrdreg s2  }
0xb0: {  	[dreg:$0x4] =	wrdreg $0x9  }
0xb1: {  	_ =	task.clear_ibuf [dreg:s7], $0x5FFFF;
	_ =	strace $0x9000004C  }
0xb2: {  	s29 =	simm.s32 $0x9;
	_ =	strace $0x8000004E  }
0xb3: {  	_ =	swait.ge [sflag:s29], $0x1  }
0xb4: {  	[sflag:s29] =	ssyncadd.s32 $0xFFFFFFFF  }
0xb5: {  	_ =	strace $0x9000004E  }
0xb6: {  	_ =	sfence  }
0xb7: {  	s30 =	sld [smem:$0x0];
	_ =	sdelay $0x2  }
0xb8: {  	s31 =	sshll.u32 s1, $0xD;
	s1 =	sshrl.u32 s1, $0x2  }
0xb9: {  	s3 =	sand.u32 $0x4000, s31;
	s1 =	sadd.s32 s1, s30  }
0xba: {  	s0 =	sor.u32 s3, s0;
	s1 =	sshll.u32 s1, $0x11  }
0xbb: {  	s0 =	sor.u32 s1, s0  }
0xbc: {  	s0 =	sadd.s32 $0x8F2B, s0  }
0xbd: {  	[sflag:s0] =	ssyncadd.remote.s32 $0x1  }
0xbe: {  	_ =	sfence.sel $0xFFFF  }
0xbf: {  	[dreg:$0x0] =	wrdreg $0xFFFFFFFF;
	(pc) =	sbr.abs _section_cstart, $3  }
0xc0: {  	[dreg:$0x1] =	wrdreg $0xFFFFFFFF  }
0xc1: {  	_ =	task.clear_ibuf [dreg:s7], $0x2FFFF;
	_ =	strace $0x9FFFFFFF  }
0xc2: {  	(tm) =	ssettm $0x7FFFFFFF  }
0xc3: {  	_ =	shalt  }
tec
execute0_lowered:
.L_overlay_start_1:
0x0: {  	(tag) =	ssettag $0x1  }
0x1: {  	s0 =	rddreg [dreg:$0x0]  }
0x2: {  	s1 =	rddreg [dreg:$0x1]  }
0x3: {  	s2 =	srdreg.scid;
	s3 =	stileid.u32  }
0x4: {  	s5 =	simm.s32 $0x0;
	s14 =	simm.s32 $0x3;
	s18 =	simm.s32 $0x8100  }
0x5: {  	s13 =	simm.s32 $0x13100;
	s19 =	simm.s32 $0x13900;
	s20 =	simm.s32 $0x14100  }
0x6: {  	s21 =	simm.s32 $0x14900;
	s22 =	simm.s32 $0x15100;
	s23 =	simm.s32 $0x15900  }
0x7: {  	s24 =	simm.s32 $0x16100;
	s28 =	simm.s32 $0x17900;
	s29 =	simm.s32 $0x2  }
0x8: {  	s2 =	sand.u32 $0x1, s2;
	[smem:$0x7FF] =	sst s5;
	s5 =	sadd.s32 $0x10800, s0  }
0x9: {  	s3 =	sshll.u32 s3, $0x8;
	s10 =	sadd.s32 $0x302900, s0;
	s11 =	sadd.s32 $0x302A00, s0  }
0xa: {  	s12 =	sadd.s32 $0x302B00, s0;
	s4 =	sshll.u32 s2, $0x7;
	_ =	strace $0x8000004D  }
0xb: {  	s2 =	ssub.s32 $0x2, s2;
	s3 =	sor.u32 s4, s3;
	s4 =	sadd.s32 $0x302800, s0  }
0xc: {  	s9 =	sshrl.u32 s2, $0x1;
	s25 =	sshrl.u32 s3, $0x3;
	s7 =	sshll.u32 s3, $0x4  }
0xd: {  	s2 =	ssub.s32 s2, s9;
	s9 =	simm.s32 $0x0;
	s1 =	sadd.s32 s1, s7  }
0xe: {  	s6 =	sadd.s32 s25, s0;
	s31 =	smax.u32 s2, $0x1;
	[dreg:$0x5] =	wrdreg s1  }
0xf: {  	s8 =	sadd.s32 s7, s0;
	s26 =	sadd.s32 $0x600, s6;
	[dreg:$0x7] =	wrdreg s31  }
0x10: {  	v2 =	vlaneseq.u32;
	s25 =	simm.s32 $0x16900;
	s6 =	sadd.s32 $0x400, s6;
	[dreg:$0x3] =	wrdreg s26  }
0x11: {  	vm0 =	vmmov $0xffff;
	v1 =	vshrl.u32 v2, $0x3;
	s2 =	simm.s32 $0x1;
	s30 =	sadd.s32 $0x800, s8;
	[dreg:$0x4] =	wrdreg s6  }
0x12: {  	v0 =	vand.u32 $0x7, v2;
	v2 =	vor.u32 $0x8, v2;
	v1 =	vmul.u32 $0x8, v1;
	s1 =	simm.s32 $0x0;
	[dreg:$0x6] =	wrdreg s30;
	s26 =	simm.s32 $0x17100  }
.LBB2_1:
0x13: {  	[dreg:$0x8] =	wrdreg s1  }
0x14: {  	s0 =	simm.s32 $0x0;
	s7 =	rddreg [dreg:$0x3]  }
0x15: {  	[tilespmem:s0], [sflag:$0x3] =	stream.linear.gather [hbm4b:s7+s0], $0x80, $0x38;
	[tilespmem:$0x18100] =	vst v63  }
0x16: {  	_ =	swait.ge [sflag:s14], $0x80  }
0x17: {  	[sflag:s14] =	ssyncset.done $0x0  }
0x18: {  	s6 =	simm.s32 $0x80;
	s8 =	rddreg [dreg:$0x4];
	[sflag:s14] =	ssyncadd.s32 $0xFFFFFF80  }
0x19: {  	[tilespmem:s6], [sflag:$0x3] =	stream.linear.gather [hbm4b:s8+s0], $0x80, $0x38;
	[tilespmem:$0x18100] =	vst v63  }
0x1a: {  	_ =	swait.ge [sflag:s14], $0x80  }
0x1b: {  	[sflag:s14] =	ssyncset.done $0x0  }
0x1c: {  	s16 =	simm.s32 $0x100;
	s15 =	rddreg [dreg:$0x5];
	[sflag:s14] =	ssyncadd.s32 $0xFFFFFF80  }
0x1d: {  	[tilespmem:s16], [sflag:$0x3] =	stream.linear.gather [hbm4b:s15+s0], $0x4000, $0x38;
	[tilespmem:$0x18100] =	vst v63  }
0x1e: {  	_ =	swait.ge [sflag:s14], $0x4000  }
0x1f: {  	[sflag:s14] =	ssyncset.done $0x0  }
0x20: {  	s31 =	simm.s32 $0x4100;
	s17 =	rddreg [dreg:$0x6];
	[sflag:s14] =	ssyncadd.s32 $0xFFFFC000  }
0x21: {  	[tilespmem:s31], [sflag:$0x3] =	stream.linear.gather [hbm4b:s17+s0], $0x4000, $0x38;
	[tilespmem:$0x18100] =	vst v63  }
0x22: {  	_ =	swait.ge [sflag:s14], $0x4000  }
0x23: {  	[sflag:s14] =	ssyncset.done $0x0  }
0x24: {  	s30 =	simm.s32 $0x0;
	[sflag:s14] =	ssyncadd.s32 $0xFFFFC000  }
.LBB2_2:
0x25: {  	s31 =	sshll.u32 s30, $0x5  }
0x26: {  	v3 =	vld [tilespmem:s31+$0x0];
	_ =	sdelay $0x4  }
0x27: {  	v4 =	vshll.u32 v3, $0x3  }
0x28: {  	v3 =	vand.u32 $0x7, v3;
	v4 =	vand.u32 $0xFFFFFFC0, v4  }
0x29: {  	v3 =	vor.u32 v3, v4  }
0x2a: {  	v4 =	vperm.xlane v3, v0;
	_ =	sdelay $0x1  }
0x2b: {  	v4 =	vadd.s32 v1, v4;
	_ =	sdelay $0x3  }
0x2c: {  	s0 =	simm.s32 $0x0  }
0x2d: {  	[tilespmem:s18], [sflag:$0x1] =	stream.indirect_vreg.gather [hbm4b:s4+s0], $0x80, v4, vm0, $0xb8;
	[tilespmem:$0x18100] =	vst v63  }
0x2e: {  	s1 =	simm.s32 $0x8900;
	v3 =	vperm.xlane v3, v2  }
0x2f: {  	[tilespmem:s1], [sflag:$0x1] =	stream.indirect_vreg.gather [hbm4b:s10+s0], $0x80, v4, vm0, $0xb8;
	[tilespmem:$0x18100] =	vst v63  }
0x30: {  	s16 =	simm.s32 $0x9100;
	v3 =	vadd.s32 v1, v3  }
0x31: {  	[tilespmem:s16], [sflag:$0x1] =	stream.indirect_vreg.gather [hbm4b:s11+s0], $0x80, v4, vm0, $0xb8;
	[tilespmem:$0x18100] =	vst v63  }
0x32: {  	s17 =	simm.s32 $0x9900  }
0x33: {  	[tilespmem:s17], [sflag:$0x1] =	stream.indirect_vreg.gather [hbm4b:s12+s0], $0x80, v4, vm0, $0xb8;
	[tilespmem:$0x18100] =	vst v63  }
0x34: {  	s6 =	simm.s32 $0xA100  }
0x35: {  	[tilespmem:s6], [sflag:$0x1] =	stream.indirect_vreg.gather [hbm4b:s4+s0], $0x80, v3, vm0, $0xb8;
	[tilespmem:$0x18100] =	vst v63  }
0x36: {  	s7 =	simm.s32 $0xA900  }
0x37: {  	[tilespmem:s7], [sflag:$0x1] =	stream.indirect_vreg.gather [hbm4b:s10+s0], $0x80, v3, vm0, $0xb8;
	[tilespmem:$0x18100] =	vst v63  }
0x38: {  	s8 =	simm.s32 $0xB100  }
0x39: {  	[tilespmem:s8], [sflag:$0x1] =	stream.indirect_vreg.gather [hbm4b:s11+s0], $0x80, v3, vm0, $0xb8;
	[tilespmem:$0x18100] =	vst v63  }
0x3a: {  	s15 =	simm.s32 $0xB900  }
0x3b: {  	[tilespmem:s15], [sflag:$0x1] =	stream.indirect_vreg.gather [hbm4b:s12+s0], $0x80, v3, vm0, $0xb8;
	[tilespmem:$0x18100] =	vst v63  }
0x3c: {  	v3 =	vld [tilespmem:s31+$0x10];
	_ =	sdelay $0x4  }
0x3d: {  	v61 =	vshll.u32 v3, $0x3  }
0x3e: {  	v3 =	vand.u32 $0x7, v3;
	v4 =	vand.u32 $0xFFFFFFC0, v61  }
0x3f: {  	v3 =	vor.u32 v3, v4  }
0x40: {  	v4 =	vperm.xlane v3, v0;
	_ =	sdelay $0x1  }
0x41: {  	v4 =	vadd.s32 v1, v4;
	_ =	sdelay $0x3  }
0x42: {  	s16 =	simm.s32 $0xC100  }
0x43: {  	[tilespmem:s16], [sflag:$0x1] =	stream.indirect_vreg.gather [hbm4b:s4+s0], $0x80, v4, vm0, $0xb8;
	[tilespmem:$0x18100] =	vst v63  }
0x44: {  	s17 =	simm.s32 $0xC900;
	v3 =	vperm.xlane v3, v2  }
0x45: {  	[tilespmem:s17], [sflag:$0x1] =	stream.indirect_vreg.gather [hbm4b:s10+s0], $0x80, v4, vm0, $0xb8;
	[tilespmem:$0x18100] =	vst v63  }
0x46: {  	s6 =	simm.s32 $0xD100;
	v3 =	vadd.s32 v1, v3  }
0x47: {  	[tilespmem:s6], [sflag:$0x1] =	stream.indirect_vreg.gather [hbm4b:s11+s0], $0x80, v4, vm0, $0xb8;
	[tilespmem:$0x18100] =	vst v63  }
0x48: {  	s7 =	simm.s32 $0xD900  }
0x49: {  	[tilespmem:s7], [sflag:$0x1] =	stream.indirect_vreg.gather [hbm4b:s12+s0], $0x80, v4, vm0, $0xb8;
	[tilespmem:$0x18100] =	vst v63  }
0x4a: {  	s8 =	simm.s32 $0xE100  }
0x4b: {  	[tilespmem:s8], [sflag:$0x1] =	stream.indirect_vreg.gather [hbm4b:s4+s0], $0x80, v3, vm0, $0xb8;
	[tilespmem:$0x18100] =	vst v63  }
0x4c: {  	s15 =	simm.s32 $0xE900  }
0x4d: {  	[tilespmem:s15], [sflag:$0x1] =	stream.indirect_vreg.gather [hbm4b:s10+s0], $0x80, v3, vm0, $0xb8;
	[tilespmem:$0x18100] =	vst v63  }
0x4e: {  	s16 =	simm.s32 $0xF100  }
0x4f: {  	[tilespmem:s16], [sflag:$0x1] =	stream.indirect_vreg.gather [hbm4b:s11+s0], $0x80, v3, vm0, $0xb8;
	[tilespmem:$0x18100] =	vst v63  }
0x50: {  	s17 =	simm.s32 $0xF900  }
0x51: {  	[tilespmem:s17], [sflag:$0x1] =	stream.indirect_vreg.gather [hbm4b:s12+s0], $0x80, v3, vm0, $0xb8;
	[tilespmem:$0x18100] =	vst v63  }
0x52: {  	v3 =	vld [tilespmem:s31+$0x80];
	_ =	sdelay $0x4  }
0x53: {  	v62 =	vshll.u32 v3, $0x3  }
0x54: {  	v3 =	vand.u32 $0x7, v3;
	v4 =	vand.u32 $0xFFFFFFC0, v62  }
0x55: {  	v3 =	vor.u32 v3, v4  }
0x56: {  	v4 =	vperm.xlane v3, v0;
	_ =	sdelay $0x1  }
0x57: {  	v4 =	vadd.s32 v1, v4;
	_ =	sdelay $0x3  }
0x58: {  	s6 =	simm.s32 $0x10100  }
0x59: {  	[tilespmem:s6], [sflag:$0x2] =	stream.indirect_vreg.gather [hbm4b:s4+s0], $0x80, v4, vm0, $0xb8;
	[tilespmem:$0x18100] =	vst v63  }
0x5a: {  	s7 =	simm.s32 $0x10900;
	v3 =	vperm.xlane v3, v2  }
0x5b: {  	[tilespmem:s7], [sflag:$0x2] =	stream.indirect_vreg.gather [hbm4b:s10+s0], $0x80, v4, vm0, $0xb8;
	[tilespmem:$0x18100] =	vst v63  }
0x5c: {  	s8 =	simm.s32 $0x11100;
	v3 =	vadd.s32 v1, v3  }
0x5d: {  	[tilespmem:s8], [sflag:$0x2] =	stream.indirect_vreg.gather [hbm4b:s11+s0], $0x80, v4, vm0, $0xb8;
	[tilespmem:$0x18100] =	vst v63  }
0x5e: {  	s15 =	simm.s32 $0x11900  }
0x5f: {  	[tilespmem:s15], [sflag:$0x2] =	stream.indirect_vreg.gather [hbm4b:s12+s0], $0x80, v4, vm0, $0xb8;
	[tilespmem:$0x18100] =	vst v63  }
0x60: {  	s16 =	simm.s32 $0x12100  }
0x61: {  	[tilespmem:s16], [sflag:$0x2] =	stream.indirect_vreg.gather [hbm4b:s4+s0], $0x80, v3, vm0, $0xb8;
	[tilespmem:$0x18100] =	vst v63  }
0x62: {  	s17 =	simm.s32 $0x12900  }
0x63: {  	[tilespmem:s17], [sflag:$0x2] =	stream.indirect_vreg.gather [hbm4b:s10+s0], $0x80, v3, vm0, $0xb8;
	[tilespmem:$0x18100] =	vst v63  }
0x64: {  	_ = 	snop  }
0x65: {  	[tilespmem:s13], [sflag:$0x2] =	stream.indirect_vreg.gather [hbm4b:s11+s0], $0x80, v3, vm0, $0xb8;
	[tilespmem:$0x18100] =	vst v63  }
0x66: {  	_ = 	snop  }
0x67: {  	[tilespmem:s19], [sflag:$0x2] =	stream.indirect_vreg.gather [hbm4b:s12+s0], $0x80, v3, vm0, $0xb8;
	[tilespmem:$0x18100] =	vst v63  }
0x68: {  	v3 =	vld [tilespmem:s31+$0x90];
	_ =	sdelay $0x4  }
0x69: {  	v63 =	vshll.u32 v3, $0x3  }
0x6a: {  	v3 =	vand.u32 $0x7, v3;
	v4 =	vand.u32 $0xFFFFFFC0, v63  }
0x6b: {  	v3 =	vor.u32 v3, v4  }
0x6c: {  	v4 =	vperm.xlane v3, v0;
	_ =	sdelay $0x1  }
0x6d: {  	v4 =	vadd.s32 v1, v4;
	_ =	sdelay $0x4  }
0x6e: {  	[tilespmem:s20], [sflag:$0x2] =	stream.indirect_vreg.gather [hbm4b:s4+s0], $0x80, v4, vm0, $0xb8;
	[tilespmem:$0x18100] =	vst v63  }
0x6f: {  	v3 =	vperm.xlane v3, v2  }
0x70: {  	[tilespmem:s21], [sflag:$0x2] =	stream.indirect_vreg.gather [hbm4b:s10+s0], $0x80, v4, vm0, $0xb8;
	[tilespmem:$0x18100] =	vst v63  }
0x71: {  	v3 =	vadd.s32 v1, v3  }
0x72: {  	[tilespmem:s22], [sflag:$0x2] =	stream.indirect_vreg.gather [hbm4b:s11+s0], $0x80, v4, vm0, $0xb8;
	[tilespmem:$0x18100] =	vst v63  }
0x73: {  	_ = 	snop  }
0x74: {  	[tilespmem:s23], [sflag:$0x2] =	stream.indirect_vreg.gather [hbm4b:s12+s0], $0x80, v4, vm0, $0xb8;
	[tilespmem:$0x18100] =	vst v63  }
0x75: {  	_ = 	snop  }
0x76: {  	[tilespmem:s24], [sflag:$0x2] =	stream.indirect_vreg.gather [hbm4b:s4+s0], $0x80, v3, vm0, $0xb8;
	[tilespmem:$0x18100] =	vst v63  }
0x77: {  	_ = 	snop  }
0x78: {  	[tilespmem:s25], [sflag:$0x2] =	stream.indirect_vreg.gather [hbm4b:s10+s0], $0x80, v3, vm0, $0xb8;
	[tilespmem:$0x18100] =	vst v63  }
0x79: {  	_ = 	snop  }
0x7a: {  	[tilespmem:s26], [sflag:$0x2] =	stream.indirect_vreg.gather [hbm4b:s11+s0], $0x80, v3, vm0, $0xb8;
	[tilespmem:$0x18100] =	vst v63  }
0x7b: {  	_ = 	snop  }
0x7c: {  	[tilespmem:s28], [sflag:$0x2] =	stream.indirect_vreg.gather [hbm4b:s12+s0], $0x80, v3, vm0, $0xb8;
	[tilespmem:$0x18100] =	vst v63  }
0x7d: {  	_ =	swait.ge [sflag:s2], $0x8000  }
0x7e: {  	[sflag:s2] =	ssyncset.done $0x0  }
0x7f: {  	[sflag:s2] =	ssyncadd.s32 $0xFFFF8000  }
0x80: {  	_ =	swait.ge [sflag:s29], $0x8000  }
0x81: {  	[sflag:s29] =	ssyncset.done $0x0  }
0x82: {  	s1 =	simm.s32 $0x0;
	[sflag:s29] =	ssyncadd.s32 $0xFFFF8000  }
.LBB2_3:
0x83: {  	s6 =	sshll.u32 s1, $0xA;
	s7 =	sshll.u32 s1, $0x7  }
0x84: {  	s15 =	sor.u32 s31, s1;
	s6 =	sand.u32 $0x6000, s6;
	s7 =	sand.u32 $0x380, s7  }
0x85: {  	s8 =	sand.u32 $0x40, s0;
	s16 =	sshll.u32 s15, $0x7;
	s15 =	sor.u32 s6, s7  }
0x86: {  	s17 =	sand.u32 $0x1C00, s0;
	v3 =	vld [tilespmem:s16+$0x100];
	s6 =	sor.u32 s8, s15  }
0x87: {  	v4 =	vld [tilespmem:s16+$0x4100];
	s16 =	sor.u32 s17, s6  }
0x88: {  	v5 =	vld [tilespmem:s16+$0x10100]  }
0x89: {  	v7 =	vld [tilespmem:s16+$0x10110]  }
0x8a: {  	v8 =	vld [tilespmem:s16+$0x10120]  }
0x8b: {  	v6 =	vld [tilespmem:s16+$0x8100]  }
0x8c: {  	v9 =	vld [tilespmem:s16+$0x10130]  }
0x8d: {  	v10 =	vld [tilespmem:s16+$0x8110]  }
0x8e: {  	s7 =	simm.s32 $0x40;
	v11 =	vld [tilespmem:s16+$0x8120]  }
0x8f: {  	s8 =	sand.u32 $0x40, s7;
	s6 =	simm.s32 $0x200;
	v12 =	vld [tilespmem:s16+$0x8130]  }
0x90: {  	s7 =	sor.u32 s8, s15;
	s17 =	sand.u32 $0x1C00, s6  }
0x91: {  	s17 =	sor.u32 s17, s7;
	v13 =	vmul.f32 v6, v3;
	v14 =	vmul.f32 v5, v4  }
0x92: {  	v6 =	vld [tilespmem:s17+$0x10100];
	v10 =	vmul.f32 v10, v3;
	v15 =	vmul.f32 v7, v4  }
0x93: {  	v5 =	vld [tilespmem:s17+$0x10110];
	v11 =	vmul.f32 v11, v3;
	v63 =	vmul.f32 v8, v4;
	v13 =	vadd.f32 v14, v13  }
0x94: {  	v7 =	vld [tilespmem:s17+$0x10120];
	v12 =	vmul.f32 v12, v3;
	v16 =	vmul.f32 v9, v4;
	v15 =	vadd.f32 v15, v10  }
0x95: {  	v8 =	vld [tilespmem:s17+$0x10130];
	v10 =	vadd.f32 v63, v11;
	[tilespmem:s16+$0x8100] =	vst v13  }
0x96: {  	s7 =	simm.s32 $0x80;
	v11 =	vadd.f32 v16, v12;
	v9 =	vld [tilespmem:s17+$0x8100];
	[tilespmem:s16+$0x8110] =	vst v15  }
.LBB2_4:
0x97: {  	p0 =	sne.s32 s7, $0x3C0;
	v12 =	vld [tilespmem:s17+$0x8110];
	[tilespmem:s16+$0x8120] =	vst v10  }
0x98: {  	v10 =	vld [tilespmem:s17+$0x8120];
	[tilespmem:s16+$0x8130] =	vst v11;
	s16 =	smov.u32 s17  }
0x99: {  	s6 =	sadd.s32 $0x200, s6;
	s17 =	sand.u32 $0x40, s7;
	v11 =	vld [tilespmem:s16+$0x8130]  }
0x9a: {  	s8 =	sand.u32 $0x1C00, s6;
	s17 =	sor.u32 s17, s15  }
0x9b: {  	v13 =	vmul.f32 v6, v4;
	s17 =	sor.u32 s8, s17;
	v9 =	vmul.f32 v9, v3  }
.Ltmp0:
0x9c: {  	v14 =	vmul.f32 v5, v4;
	v6 =	vld [tilespmem:s17+$0x10100];
	v12 =	vmul.f32 v12, v3;
	(pc) =	sbr.rel @p0 .LBB2_4-.Ltmp0, $4  }
0x9d: {  	v5 =	vld [tilespmem:s17+$0x10110];
	v9 =	vadd.f32 v13, v9;
	v10 =	vmul.f32 v10, v3;
	v13 =	vmul.f32 v7, v4  }
0x9e: {  	v7 =	vld [tilespmem:s17+$0x10120];
	v12 =	vadd.f32 v14, v12;
	v11 =	vmul.f32 v11, v3;
	v14 =	vmul.f32 v8, v4  }
0x9f: {  	v8 =	vld [tilespmem:s17+$0x10130];
	[tilespmem:s16+$0x8100] =	vst v9;
	v10 =	vadd.f32 v13, v10  }
0xa0: {  	s7 =	sadd.s32 $0x40, s7;
	v9 =	vld [tilespmem:s17+$0x8100];
	[tilespmem:s16+$0x8110] =	vst v12;
	v11 =	vadd.f32 v14, v11  }
0xa1: {  	v12 =	vld [tilespmem:s17+$0x8110];
	[tilespmem:s16+$0x8120] =	vst v10  }
0xa2: {  	v10 =	vld [tilespmem:s17+$0x8120];
	[tilespmem:s16+$0x8130] =	vst v11  }
0xa3: {  	v11 =	vld [tilespmem:s17+$0x8130];
	_ =	sdelay $0x1  }
0xa4: {  	v6 =	vmul.f32 v6, v4;
	v9 =	vmul.f32 v9, v3  }
0xa5: {  	s1 =	sadd.s32 $0x1, s1;
	v5 =	vmul.f32 v5, v4;
	v12 =	vmul.f32 v12, v3  }
0xa6: {  	p0 =	sne.s32 s1, $0x20;
	v7 =	vmul.f32 v7, v4;
	v6 =	vadd.f32 v6, v9;
	v61 =	vmul.f32 v10, v3  }
.Ltmp1:
0xa7: {  	v62 =	vmul.f32 v8, v4;
	v5 =	vadd.f32 v5, v12;
	v3 =	vmul.f32 v11, v3;
	(pc) =	sbr.rel @p0 .LBB2_3-.Ltmp1, $4  }
0xa8: {  	[tilespmem:s17+$0x8100] =	vst v6;
	v63 =	vadd.f32 v7, v61  }
0xa9: {  	[tilespmem:s17+$0x8110] =	vst v5;
	v3 =	vadd.f32 v62, v3  }
0xaa: {  	[tilespmem:s17+$0x8120] =	vst v63  }
0xab: {  	[tilespmem:s17+$0x8130] =	vst v3  }
0xac: {  	s0 =	sadd.s32 s3, s31;
	s30 =	sadd.s32 $0x1, s30  }
0xad: {  	s0 =	sshll.u32 s0, $0x7;
	p0 =	sne.s32 s30, $0x4  }
.Ltmp2:
0xae: {  	s0 =	sadd.s32 s5, s0;
	(pc) =	sbr.rel @p0 .LBB2_2-.Ltmp2, $4  }
0xaf: {  	[hbm4b:s0+s9] =	stream.linear.scatter [tilespmem:s18], [sflag:$0x3], $0x8000, $0x38;
	[tilespmem:$0x18100] =	vst v63  }
0xb0: {  	_ =	swait.ge [sflag:s14], $0x8000  }
0xb1: {  	[sflag:s14] =	ssyncset.done $0x0  }
0xb2: {  	[sflag:s14] =	ssyncadd.s32 $0xFFFF8000  }
0xb3: {  	s1 =	rddreg [dreg:$0x8]  }
0xb4: {  	s0 =	rddreg [dreg:$0x7];
	s1 =	sadd.s32 $0x1, s1  }
0xb5: {  	p0 =	sne.s32 s1, s0  }
.Ltmp3:
0xb6: {  	_ = 	snop;
	(pc) =	sbr.rel @p0 .LBB2_1-.Ltmp3, $1  }
0xb7: {  	_ =	sdelay $0x3  }
0xb8: {  	_ =	sfence.sel $0x180000  }
0xb9: {  	[bflag:$0x0] =	sbarrier.arrive $0xFFFF  }
0xba: {  	_ =	strace $0x9000004D  }
0xbb: {  	s0 =	stileid.u32;
	[bflag:$0x2] =	sbarrier.arrive $0xFFFF  }
0xbc: {  	p0 =	sne.s32 s0, $0x0;
	s0 =	rddreg [dreg:$0x2]  }
0xbd: {  	s0 =	sadd.s32 @!p0 $0x100000, s0  }
0xbe: {  	[sflag:s0] =	ssyncadd.tile.s32 @!p0 $0x1;
	_ =	shalt  }
.Lfunc_end2:
_tile_overlayer_lowered:
.L_overlay_start_2:
0xbf: {  	(tag) =	ssettag $0x2  }
0xc0: {  	s0 =	rddreg [dreg:$0x0];
	s2 =	stileid.u32  }
0xc1: {  	s1 =	rddreg [dreg:$0x1];
	p0 =	sne.s32 s2, $0x0  }
0xc2: {  	s3 =	rddreg [dreg:$0x2];
	[bflag:$0x3] =	sbarrier.arrive $0xFFFF;
	s2 =	simm.s32 @!p0 $0x1C03  }
0xc3: {  	[timem:s3], [sflag:s2] =	dma.local @!p0 [hbm:s0], s1  }
0xc4: {  	s0 =	simm.s32 @!p0 $0x3  }
0xc5: {  	_ =	swait.ge @!p0 [sflag:s0], s1  }
0xc6: {  	s1 =	ssub.s32 @!p0 $0x0, s1;
	[sflag:s0] =	ssyncset.done @!p0 $0x0  }
0xc7: {  	[sflag:s0] =	ssyncadd.s32 @!p0 s1  }
0xc8: {  	[bflag:$0x3] =	sbarrier.arrive $0xFFFF  }
0xc9: {  	_ =	shalt  }

</sc_bundles>
